<compile_context>
chip_gen: v7x
topology: tpu7x:2x2x1
jax: 0.10.2.dev20260603
libtpu: 0.0.44.dev20260713+nightly
codegen_flags: <defaults>
</compile_context>

<pallas_src>
import functools

import jax
import jax.numpy as jnp
from jax import lax
from jax.experimental import pallas as pl
from jax.experimental.pallas import tpu as pltpu
from jax.experimental.pallas import tpu_sc as plsc

NC = 2
NS = 16
L = 16
NW = NC * NS

R = 8
NBUF = 4
NBUF_OUT = 2


def _permute(flat, idx, cp):
    N, COL = flat.shape
    rows_per_w = N // NW
    nchunk = rows_per_w // R
    ngrp = COL // L
    assert nchunk % NBUF == 0

    mesh = plsc.VectorSubcoreMesh(
        core_axis_name="c", subcore_axis_name="s", num_cores=NC, num_subcores=NS
    )

    @functools.partial(
        pl.kernel,
        mesh=mesh,
        out_type=jax.ShapeDtypeStruct((N, COL), jnp.float32),
        scratch_types=[
            pltpu.VMEM((COL,), jnp.int32),
            pltpu.VMEM((rows_per_w,), jnp.int32),
            pltpu.VMEM((R, COL), jnp.float32),
            pltpu.VMEM((R, COL), jnp.float32),
            pltpu.VMEM((R, COL), jnp.float32),
            pltpu.VMEM((R, COL), jnp.float32),
            pltpu.VMEM((R, COL), jnp.float32),
            pltpu.VMEM((R, COL), jnp.float32),
            pltpu.SemaphoreType.DMA((NBUF,)),
            pltpu.SemaphoreType.DMA((NBUF_OUT,)),
        ],
        compiler_params=pltpu.CompilerParams(
            use_tc_tiling_on_sc=True, needs_layout_passes=False
        ),
    )
    def body(
        flat_hbm, idx_hbm, cp_hbm, out_hbm,
        cp_v, idx_v, in0, in1, in2, in3, out0, out1, gsem, ssem,
    ):
        inb = [in0, in1, in2, in3]
        outb = [out0, out1]
        wid = lax.axis_index("s") * NC + lax.axis_index("c")
        base = wid * rows_per_w
        pltpu.sync_copy(cp_hbm, cp_v)
        pltpu.sync_copy(idx_hbm.at[pl.ds(base, rows_per_w)], idx_v)

        def start_gather(ci, b):
            pltpu.async_copy(
                flat_hbm.at[idx_v.at[pl.ds(ci * R, R)]], inb[b], gsem.at[b]
            )

        def wait_gather(ci, b):
            pltpu.make_async_copy(
                flat_hbm.at[idx_v.at[pl.ds(ci * R, R)]], inb[b], gsem.at[b]
            ).wait()

        def start_scatter(ci, b):
            pltpu.async_copy(
                outb[b], out_hbm.at[pl.ds(base + ci * R, R)], ssem.at[b]
            )

        def wait_scatter(ci, b):
            pltpu.make_async_copy(
                outb[b], out_hbm.at[pl.ds(base + ci * R, R)], ssem.at[b]
            ).wait()

        rfull = [jnp.full((L,), r, jnp.int32) for r in range(R)]

        def compute2(bi, bo):
            @plsc.parallel_loop(0, ngrp, unroll=4)
            def _grp(j):
                cpj = cp_v[pl.ds(j * L, L)]
                for r in range(R):
                    v = plsc.load_gather(inb[bi], [rfull[r], cpj])
                    outb[bo][r, pl.ds(j * L, L)] = v

        for b in range(NBUF):
            start_gather(b, b)

        def step(t, c):
            for k in range(NBUF):
                ci = NBUF * t + k
                bo = k % NBUF_OUT

                @pl.when(ci >= NBUF_OUT)
                def _():
                    wait_scatter(ci - NBUF_OUT, bo)

                wait_gather(ci, k)
                compute2(k, bo)
                start_scatter(ci, bo)

                @pl.when(ci + NBUF < nchunk)
                def _():
                    start_gather(ci + NBUF, k)

            return c

        lax.fori_loop(0, nchunk // NBUF, step, 0)
        for b in range(NBUF_OUT):
            wait_scatter(nchunk - NBUF_OUT + b, b)

    return body(flat, idx, cp)


def kernel(tensor, rowperm, colperm):
    B, ROW, COL = tensor.shape
    N = B * ROW
    flat = tensor.reshape(N, COL)
    idx = (
        rowperm.astype(jnp.int32).reshape(1, ROW)
        + (jnp.arange(B, dtype=jnp.int32) * ROW).reshape(B, 1)
    ).reshape(N)
    out = _permute(flat, idx, colperm.astype(jnp.int32))
    return out.reshape(B, ROW, COL)

# --- scband reference (transcript-rebuilt; emitter-appended) ---
"""Pipeline reference for scband-row-col-permute-15126874816841 (READ-ONLY COPY).

The authoritative reference and input builder live on the scoring server;
editing this copy changes nothing except your own understanding.
"""

import jax, jax.numpy as jnp
import numpy as np

B, ROW, COL = 4, 8192, 2048


def setup_inputs(seed: int = 0) -> dict:
    key = jax.random.key(seed)
    k1, k2, k3 = jax.random.split(key, 3)
    tensor = jax.random.normal(k1, (B, ROW, COL), dtype=jnp.float32)
    # Module buffers created in __init__ via torch.randperm(row), torch.randperm(col)
    rowperm = jax.random.permutation(k2, ROW)
    colperm = jax.random.permutation(k3, COL)
    return {"tensor": tensor, "rowperm": rowperm, "colperm": colperm}


def reference(tensor, rowperm, colperm):
    # Faithful translation of: tensor[:, self.rowperm][:, :, self.colperm]
    out = jnp.take(tensor, rowperm, axis=1)
    out = jnp.take(out, colperm, axis=2)
    return out

if __name__ == "__main__":
    import jax
    _d = setup_inputs()
    print(jax.jit(kernel)(*tuple(_d.values())))

</pallas_src>

<mosaic_0001>
#map = affine_map<(d0, d1) -> (0, 0)>
#map1 = affine_map<(d0, d1) -> (0)>
module attributes {stable_mosaic.version = 14 : i64} {
  func.func @body(%arg0: i32, %arg1: i32, %arg2: memref<32768x2048xf32, #tpu.memory_space<hbm>>, %arg3: memref<32768xi32, #tpu.memory_space<hbm>>, %arg4: memref<2048xi32, #tpu.memory_space<hbm>>, %arg5: memref<32768x2048xf32, #tpu.memory_space<hbm>>, %arg6: memref<2048xi32, #tpu.memory_space<vmem>>, %arg7: memref<1024xi32, #tpu.memory_space<vmem>>, %arg8: memref<8x2048xf32, #tpu.memory_space<vmem>>, %arg9: memref<8x2048xf32, #tpu.memory_space<vmem>>, %arg10: memref<8x2048xf32, #tpu.memory_space<vmem>>, %arg11: memref<8x2048xf32, #tpu.memory_space<vmem>>, %arg12: memref<8x2048xf32, #tpu.memory_space<vmem>>, %arg13: memref<8x2048xf32, #tpu.memory_space<vmem>>, %arg14: memref<4x!tpu.dma_semaphore, #tpu.memory_space<semaphore_mem>>, %arg15: memref<2x!tpu.dma_semaphore, #tpu.memory_space<semaphore_mem>>) attributes {dimension_semantics = [#tpu.dimension_semantics<core_parallel>, #tpu.dimension_semantics<subcore_parallel>], iteration_bounds = array<i64: 2, 16>, scalar_prefetch = 0 : i64, scratch_operands = 10 : i64, tpu.core_type = #tpu.core_type<sc_vector_subcore>, window_params = [{transform_indices = #map}, {transform_indices = #map1}, {transform_indices = #map1}, {transform_indices = #map}]} {
    %mul3A = arith.constant 2 : i32
    %mul3A_0 = arith.muli %arg1, %mul3A : i32
    %add3A = arith.addi %mul3A_0, %arg0 : i32
    %mul3A_1 = arith.constant 1024 : i32
    %mul3A_2 = arith.muli %add3A, %mul3A_1 : i32
    "tpu.region"() ({
      %run_scoped3A = tpu.sem_alloc : memref<!tpu.dma_semaphore, #tpu.memory_space<semaphore_mem>>
      tpu.enqueue_dma source(%arg4 : memref<2048xi32, #tpu.memory_space<hbm>>) target(%arg6 : memref<2048xi32, #tpu.memory_space<vmem>>) target_semaphore(%run_scoped3A : memref<!tpu.dma_semaphore, #tpu.memory_space<semaphore_mem>>)
      tpu.wait_dma2 semaphore(%run_scoped3A : memref<!tpu.dma_semaphore, #tpu.memory_space<semaphore_mem>>) src(%arg4 : memref<2048xi32, #tpu.memory_space<hbm>>) dst(%arg6 : memref<2048xi32, #tpu.memory_space<vmem>>)
      tpu.yield
    }) : () -> ()
    "tpu.region"() ({
      %run_scoped3A = tpu.sem_alloc : memref<!tpu.dma_semaphore, #tpu.memory_space<semaphore_mem>>
      %dma_start3A_71 = tpu.memref_slice %arg3[%mul3A_2] : memref<32768xi32, #tpu.memory_space<hbm>> -> memref<1024xi32, #tpu.memory_space<hbm>>
      %dma_start3A_72 = tpu.memref_slice %arg3[%mul3A_2] : memref<32768xi32, #tpu.memory_space<hbm>> -> memref<1024xi32, #tpu.memory_space<hbm>>
      tpu.enqueue_dma source(%dma_start3A_72 : memref<1024xi32, #tpu.memory_space<hbm>>) target(%arg7 : memref<1024xi32, #tpu.memory_space<vmem>>) target_semaphore(%run_scoped3A : memref<!tpu.dma_semaphore, #tpu.memory_space<semaphore_mem>>)
      %dma_wait3A_73 = tpu.memref_slice %arg3[%mul3A_2] : memref<32768xi32, #tpu.memory_space<hbm>> -> memref<1024xi32, #tpu.memory_space<hbm>>
      %dma_wait3A_74 = tpu.memref_slice %arg3[%mul3A_2] : memref<32768xi32, #tpu.memory_space<hbm>> -> memref<1024xi32, #tpu.memory_space<hbm>>
      tpu.wait_dma2 semaphore(%run_scoped3A : memref<!tpu.dma_semaphore, #tpu.memory_space<semaphore_mem>>) src(%dma_wait3A_74 : memref<1024xi32, #tpu.memory_space<hbm>>) dst(%arg7 : memref<1024xi32, #tpu.memory_space<vmem>>)
      tpu.yield
    }) : () -> ()
    %broadcast_in_dim3A = arith.constant 0 : i32
    %broadcast_in_dim3A_3 = vector.broadcast %broadcast_in_dim3A : i32 to vector<16xi32>
    %broadcast_in_dim3A_4 = arith.constant 1 : i32
    %broadcast_in_dim3A_5 = vector.broadcast %broadcast_in_dim3A_4 : i32 to vector<16xi32>
    %broadcast_in_dim3A_6 = arith.constant 2 : i32
    %broadcast_in_dim3A_7 = vector.broadcast %broadcast_in_dim3A_6 : i32 to vector<16xi32>
    %broadcast_in_dim3A_8 = arith.constant 3 : i32
    %broadcast_in_dim3A_9 = vector.broadcast %broadcast_in_dim3A_8 : i32 to vector<16xi32>
    %broadcast_in_dim3A_10 = arith.constant 4 : i32
    %broadcast_in_dim3A_11 = vector.broadcast %broadcast_in_dim3A_10 : i32 to vector<16xi32>
    %broadcast_in_dim3A_12 = arith.constant 5 : i32
    %broadcast_in_dim3A_13 = vector.broadcast %broadcast_in_dim3A_12 : i32 to vector<16xi32>
    %broadcast_in_dim3A_14 = arith.constant 6 : i32
    %broadcast_in_dim3A_15 = vector.broadcast %broadcast_in_dim3A_14 : i32 to vector<16xi32>
    %broadcast_in_dim3A_16 = arith.constant 7 : i32
    %broadcast_in_dim3A_17 = vector.broadcast %broadcast_in_dim3A_16 : i32 to vector<16xi32>
    %dma_start3A = arith.constant 0 : i32
    %dma_start3A_18 = arith.constant 0 : i32
    %dma_start3A_19 = tpu.memref_slice %arg7[%dma_start3A_18] : memref<1024xi32, #tpu.memory_space<vmem>> -> memref<8xi32, #tpu.memory_space<vmem>>
    %dma_start3A_20 = arith.constant 0 : i32
    %dma_start3A_21 = arith.constant 0 : i32
    %dma_start3A_22 = tpu.memref_slice %arg2[%dma_start3A_20, %dma_start3A_21] : memref<32768x2048xf32, #tpu.memory_space<hbm>> -> memref<32768x2048xf32, #tpu.memory_space<hbm>>
    %dma_start3A_23 = tpu.memref_slice %arg14[%dma_start3A] : memref<4x!tpu.dma_semaphore, #tpu.memory_space<semaphore_mem>> -> memref<1x!tpu.dma_semaphore, #tpu.memory_space<semaphore_mem>>
    %dma_start3A_24 = tpu.memref_squeeze %dma_start3A_23 : memref<1x!tpu.dma_semaphore, #tpu.memory_space<semaphore_mem>> -> memref<!tpu.dma_semaphore, #tpu.memory_space<semaphore_mem>>
    tpu.enqueue_indirect_dma source(%dma_start3A_22 : memref<32768x2048xf32, #tpu.memory_space<hbm>>) target(%arg8 : memref<8x2048xf32, #tpu.memory_space<vmem>>) offsets(%dma_start3A_19 : memref<8xi32, #tpu.memory_space<vmem>>) semaphore(%dma_start3A_24 : memref<!tpu.dma_semaphore, #tpu.memory_space<semaphore_mem>>)
    %dma_start3A_25 = arith.constant 1 : i32
    %dma_start3A_26 = arith.constant 8 : i32
    %dma_start3A_27 = tpu.memref_slice %arg7[%dma_start3A_26] : memref<1024xi32, #tpu.memory_space<vmem>> -> memref<8xi32, #tpu.memory_space<vmem>>
    %dma_start3A_28 = arith.constant 0 : i32
    %dma_start3A_29 = arith.constant 0 : i32
    %dma_start3A_30 = tpu.memref_slice %arg2[%dma_start3A_28, %dma_start3A_29] : memref<32768x2048xf32, #tpu.memory_space<hbm>> -> memref<32768x2048xf32, #tpu.memory_space<hbm>>
    %dma_start3A_31 = tpu.memref_slice %arg14[%dma_start3A_25] : memref<4x!tpu.dma_semaphore, #tpu.memory_space<semaphore_mem>> -> memref<1x!tpu.dma_semaphore, #tpu.memory_space<semaphore_mem>>
    %dma_start3A_32 = tpu.memref_squeeze %dma_start3A_31 : memref<1x!tpu.dma_semaphore, #tpu.memory_space<semaphore_mem>> -> memref<!tpu.dma_semaphore, #tpu.memory_space<semaphore_mem>>
    tpu.enqueue_indirect_dma source(%dma_start3A_30 : memref<32768x2048xf32, #tpu.memory_space<hbm>>) target(%arg9 : memref<8x2048xf32, #tpu.memory_space<vmem>>) offsets(%dma_start3A_27 : memref<8xi32, #tpu.memory_space<vmem>>) semaphore(%dma_start3A_32 : memref<!tpu.dma_semaphore, #tpu.memory_space<semaphore_mem>>)
    %dma_start3A_33 = arith.constant 2 : i32
    %dma_start3A_34 = arith.constant 16 : i32
    %dma_start3A_35 = tpu.memref_slice %arg7[%dma_start3A_34] : memref<1024xi32, #tpu.memory_space<vmem>> -> memref<8xi32, #tpu.memory_space<vmem>>
    %dma_start3A_36 = arith.constant 0 : i32
    %dma_start3A_37 = arith.constant 0 : i32
    %dma_start3A_38 = tpu.memref_slice %arg2[%dma_start3A_36, %dma_start3A_37] : memref<32768x2048xf32, #tpu.memory_space<hbm>> -> memref<32768x2048xf32, #tpu.memory_space<hbm>>
    %dma_start3A_39 = tpu.memref_slice %arg14[%dma_start3A_33] : memref<4x!tpu.dma_semaphore, #tpu.memory_space<semaphore_mem>> -> memref<1x!tpu.dma_semaphore, #tpu.memory_space<semaphore_mem>>
    %dma_start3A_40 = tpu.memref_squeeze %dma_start3A_39 : memref<1x!tpu.dma_semaphore, #tpu.memory_space<semaphore_mem>> -> memref<!tpu.dma_semaphore, #tpu.memory_space<semaphore_mem>>
    tpu.enqueue_indirect_dma source(%dma_start3A_38 : memref<32768x2048xf32, #tpu.memory_space<hbm>>) target(%arg10 : memref<8x2048xf32, #tpu.memory_space<vmem>>) offsets(%dma_start3A_35 : memref<8xi32, #tpu.memory_space<vmem>>) semaphore(%dma_start3A_40 : memref<!tpu.dma_semaphore, #tpu.memory_space<semaphore_mem>>)
    %dma_start3A_41 = arith.constant 3 : i32
    %dma_start3A_42 = arith.constant 24 : i32
    %dma_start3A_43 = tpu.memref_slice %arg7[%dma_start3A_42] : memref<1024xi32, #tpu.memory_space<vmem>> -> memref<8xi32, #tpu.memory_space<vmem>>
    %dma_start3A_44 = arith.constant 0 : i32
    %dma_start3A_45 = arith.constant 0 : i32
    %dma_start3A_46 = tpu.memref_slice %arg2[%dma_start3A_44, %dma_start3A_45] : memref<32768x2048xf32, #tpu.memory_space<hbm>> -> memref<32768x2048xf32, #tpu.memory_space<hbm>>
    %dma_start3A_47 = tpu.memref_slice %arg14[%dma_start3A_41] : memref<4x!tpu.dma_semaphore, #tpu.memory_space<semaphore_mem>> -> memref<1x!tpu.dma_semaphore, #tpu.memory_space<semaphore_mem>>
    %dma_start3A_48 = tpu.memref_squeeze %dma_start3A_47 : memref<1x!tpu.dma_semaphore, #tpu.memory_space<semaphore_mem>> -> memref<!tpu.dma_semaphore, #tpu.memory_space<semaphore_mem>>
    tpu.enqueue_indirect_dma source(%dma_start3A_46 : memref<32768x2048xf32, #tpu.memory_space<hbm>>) target(%arg11 : memref<8x2048xf32, #tpu.memory_space<vmem>>) offsets(%dma_start3A_43 : memref<8xi32, #tpu.memory_space<vmem>>) semaphore(%dma_start3A_48 : memref<!tpu.dma_semaphore, #tpu.memory_space<semaphore_mem>>)
    %scan3A = arith.constant 0 : i32
    %scan3A_49 = arith.constant 0 : i32
    %scan3A_50 = arith.constant 32 : i32
    %scan3A_51 = arith.addi %scan3A_49, %scan3A_50 : i32
    %scan3A_52 = arith.constant 1 : i32
    scf.for %scan3A_71 = %scan3A_49 to %scan3A_51 step %scan3A_52  : i32 {
      %mul3A_72 = arith.constant 4 : i32
      %mul3A_73 = arith.muli %mul3A_72, %scan3A_71 : i32
      %add3A_74 = arith.constant 0 : i32
      %add3A_75 = arith.addi %mul3A_73, %add3A_74 : i32
      %ge3A = arith.constant 2 : i32
      %ge3A_76 = arith.cmpi sge, %add3A_75, %ge3A : i32
      %convert_element_type3A = arith.extui %ge3A_76 : i1 to i32
      %cond3A = arith.constant 0 : i32
      %cond3A_77 = arith.cmpi ne, %convert_element_type3A, %cond3A : i32
      scf.if %cond3A_77 {
        %sub3A = arith.constant 2 : i32
        %sub3A_219 = arith.subi %add3A_75, %sub3A : i32
        %mul3A_220 = arith.constant 8 : i32
        %mul3A_221 = arith.muli %sub3A_219, %mul3A_220 : i32
        %add3A_222 = arith.addi %mul3A_2, %mul3A_221 : i32
        %dma_wait3A_223 = arith.constant 0 : i32
        %dma_wait3A_224 = arith.constant 0 : i32
        %dma_wait3A_225 = tpu.memref_slice %arg5[%add3A_222, %dma_wait3A_224] : memref<32768x2048xf32, #tpu.memory_space<hbm>> -> memref<8x2048xf32, #tpu.memory_space<hbm>>
        %dma_wait3A_226 = tpu.memref_slice %arg15[%dma_wait3A_223] : memref<2x!tpu.dma_semaphore, #tpu.memory_space<semaphore_mem>> -> memref<1x!tpu.dma_semaphore, #tpu.memory_space<semaphore_mem>>
        %dma_wait3A_227 = tpu.memref_squeeze %dma_wait3A_226 : memref<1x!tpu.dma_semaphore, #tpu.memory_space<semaphore_mem>> -> memref<!tpu.dma_semaphore, #tpu.memory_space<semaphore_mem>>
        %dma_wait3A_228 = arith.constant 0 : i32
        %dma_wait3A_229 = tpu.memref_slice %arg5[%add3A_222, %dma_wait3A_228] : memref<32768x2048xf32, #tpu.memory_space<hbm>> -> memref<8x2048xf32, #tpu.memory_space<hbm>>
        tpu.wait_dma2 semaphore(%dma_wait3A_227 : memref<!tpu.dma_semaphore, #tpu.memory_space<semaphore_mem>>) src(%arg12 : memref<8x2048xf32, #tpu.memory_space<vmem>>) dst(%dma_wait3A_229 : memref<8x2048xf32, #tpu.memory_space<hbm>>)
      } else {
      }
      %mul3A_78 = arith.constant 8 : i32
      %mul3A_79 = arith.muli %add3A_75, %mul3A_78 : i32
      %dma_wait3A_80 = arith.constant 0 : i32
      %dma_wait3A_81 = tpu.memref_slice %arg7[%mul3A_79] : memref<1024xi32, #tpu.memory_space<vmem>> -> memref<8xi32, #tpu.memory_space<vmem>>
      %dma_wait3A_82 = arith.constant 0 : i32
      %dma_wait3A_83 = arith.constant 0 : i32
      %dma_wait3A_84 = tpu.memref_slice %arg2[%dma_wait3A_82, %dma_wait3A_83] : memref<32768x2048xf32, #tpu.memory_space<hbm>> -> memref<32768x2048xf32, #tpu.memory_space<hbm>>
      %dma_wait3A_85 = tpu.memref_slice %arg14[%dma_wait3A_80] : memref<4x!tpu.dma_semaphore, #tpu.memory_space<semaphore_mem>> -> memref<1x!tpu.dma_semaphore, #tpu.memory_space<semaphore_mem>>
      %dma_wait3A_86 = tpu.memref_squeeze %dma_wait3A_85 : memref<1x!tpu.dma_semaphore, #tpu.memory_space<semaphore_mem>> -> memref<!tpu.dma_semaphore, #tpu.memory_space<semaphore_mem>>
      tpu.wait_indirect_dma semaphore(%dma_wait3A_86 : memref<!tpu.dma_semaphore, #tpu.memory_space<semaphore_mem>>) src(%dma_wait3A_84 : memref<32768x2048xf32, #tpu.memory_space<hbm>>) dst(%arg8 : memref<8x2048xf32, #tpu.memory_space<vmem>>)
      %parallel_loop3A = arith.constant 0 : i32
      %parallel_loop3A_87 = arith.constant 128 : i32
      %parallel_loop3A_88 = arith.constant 1 : i32
      scf.for %parallel_loop3A_219 = %parallel_loop3A to %parallel_loop3A_87 step %parallel_loop3A_88  : i32 {
        %parallel_loop3A_220 = arith.constant 16 : i32
        %parallel_loop3A_221 = arith.muli %parallel_loop3A_219, %parallel_loop3A_220 : i32
        %parallel_loop3A_222 = arith.index_cast %parallel_loop3A_221 : i32 to index
        %parallel_loop3A_223 = tpu.vector_load %arg6[%parallel_loop3A_222] {strides = array<i32>} : memref<2048xi32, #tpu.memory_space<vmem>>, vector<16xi32>,
        %parallel_loop3A_224 = tpu.vector_load_idx %arg8[%broadcast_in_dim3A_3, %parallel_loop3A_223] : memref<8x2048xf32, #tpu.memory_space<vmem>>[vector<16xi32>, vector<16xi32>], vector<16xf32>,
        %parallel_loop3A_225 = arith.constant 16 : i32
        %parallel_loop3A_226 = arith.muli %parallel_loop3A_219, %parallel_loop3A_225 : i32
        %parallel_loop3A_227 = arith.constant 0 : i32
        %parallel_loop3A_228 = arith.index_cast %parallel_loop3A_227 : i32 to index
        %parallel_loop3A_229 = arith.index_cast %parallel_loop3A_226 : i32 to index
        %parallel_loop3A_230 = tpu.vector_load %arg12[%parallel_loop3A_228, %parallel_loop3A_229] {strides = array<i32>} : memref<8x2048xf32, #tpu.memory_space<vmem>>, vector<16xf32>,
        tpu.vector_store %arg12[%parallel_loop3A_228, %parallel_loop3A_229], %parallel_loop3A_224 {strides = array<i32>} : memref<8x2048xf32, #tpu.memory_space<vmem>>, vector<16xf32>,
        %parallel_loop3A_231 = tpu.vector_load_idx %arg8[%broadcast_in_dim3A_5, %parallel_loop3A_223] : memref<8x2048xf32, #tpu.memory_space<vmem>>[vector<16xi32>, vector<16xi32>], vector<16xf32>,
        %parallel_loop3A_232 = arith.constant 16 : i32
        %parallel_loop3A_233 = arith.muli %parallel_loop3A_219, %parallel_loop3A_232 : i32
        %parallel_loop3A_234 = arith.constant 1 : i32
        %parallel_loop3A_235 = arith.index_cast %parallel_loop3A_234 : i32 to index
        %parallel_loop3A_236 = arith.index_cast %parallel_loop3A_233 : i32 to index
        %parallel_loop3A_237 = tpu.vector_load %arg12[%parallel_loop3A_235, %parallel_loop3A_236] {strides = array<i32>} : memref<8x2048xf32, #tpu.memory_space<vmem>>, vector<16xf32>,
        tpu.vector_store %arg12[%parallel_loop3A_235, %parallel_loop3A_236], %parallel_loop3A_231 {strides = array<i32>} : memref<8x2048xf32, #tpu.memory_space<vmem>>, vector<16xf32>,
        %parallel_loop3A_238 = tpu.vector_load_idx %arg8[%broadcast_in_dim3A_7, %parallel_loop3A_223] : memref<8x2048xf32, #tpu.memory_space<vmem>>[vector<16xi32>, vector<16xi32>], vector<16xf32>,
        %parallel_loop3A_239 = arith.constant 16 : i32
        %parallel_loop3A_240 = arith.muli %parallel_loop3A_219, %parallel_loop3A_239 : i32
        %parallel_loop3A_241 = arith.constant 2 : i32
        %parallel_loop3A_242 = arith.index_cast %parallel_loop3A_241 : i32 to index
        %parallel_loop3A_243 = arith.index_cast %parallel_loop3A_240 : i32 to index
        %parallel_loop3A_244 = tpu.vector_load %arg12[%parallel_loop3A_242, %parallel_loop3A_243] {strides = array<i32>} : memref<8x2048xf32, #tpu.memory_space<vmem>>, vector<16xf32>,
        tpu.vector_store %arg12[%parallel_loop3A_242, %parallel_loop3A_243], %parallel_loop3A_238 {strides = array<i32>} : memref<8x2048xf32, #tpu.memory_space<vmem>>, vector<16xf32>,
        %parallel_loop3A_245 = tpu.vector_load_idx %arg8[%broadcast_in_dim3A_9, %parallel_loop3A_223] : memref<8x2048xf32, #tpu.memory_space<vmem>>[vector<16xi32>, vector<16xi32>], vector<16xf32>,
        %parallel_loop3A_246 = arith.constant 16 : i32
        %parallel_loop3A_247 = arith.muli %parallel_loop3A_219, %parallel_loop3A_246 : i32
        %parallel_loop3A_248 = arith.constant 3 : i32
        %parallel_loop3A_249 = arith.index_cast %parallel_loop3A_248 : i32 to index
        %parallel_loop3A_250 = arith.index_cast %parallel_loop3A_247 : i32 to index
        %parallel_loop3A_251 = tpu.vector_load %arg12[%parallel_loop3A_249, %parallel_loop3A_250] {strides = array<i32>} : memref<8x2048xf32, #tpu.memory_space<vmem>>, vector<16xf32>,
        tpu.vector_store %arg12[%parallel_loop3A_249, %parallel_loop3A_250], %parallel_loop3A_245 {strides = array<i32>} : memref<8x2048xf32, #tpu.memory_space<vmem>>, vector<16xf32>,
        %parallel_loop3A_252 = tpu.vector_load_idx %arg8[%broadcast_in_dim3A_11, %parallel_loop3A_223] : memref<8x2048xf32, #tpu.memory_space<vmem>>[vector<16xi32>, vector<16xi32>], vector<16xf32>,
        %parallel_loop3A_253 = arith.constant 16 : i32
        %parallel_loop3A_254 = arith.muli %parallel_loop3A_219, %parallel_loop3A_253 : i32
        %parallel_loop3A_255 = arith.constant 4 : i32
        %parallel_loop3A_256 = arith.index_cast %parallel_loop3A_255 : i32 to index
        %parallel_loop3A_257 = arith.index_cast %parallel_loop3A_254 : i32 to index
        %parallel_loop3A_258 = tpu.vector_load %arg12[%parallel_loop3A_256, %parallel_loop3A_257] {strides = array<i32>} : memref<8x2048xf32, #tpu.memory_space<vmem>>, vector<16xf32>,
        tpu.vector_store %arg12[%parallel_loop3A_256, %parallel_loop3A_257], %parallel_loop3A_252 {strides = array<i32>} : memref<8x2048xf32, #tpu.memory_space<vmem>>, vector<16xf32>,
        %parallel_loop3A_259 = tpu.vector_load_idx %arg8[%broadcast_in_dim3A_13, %parallel_loop3A_223] : memref<8x2048xf32, #tpu.memory_space<vmem>>[vector<16xi32>, vector<16xi32>], vector<16xf32>,
        %parallel_loop3A_260 = arith.constant 16 : i32
        %parallel_loop3A_261 = arith.muli %parallel_loop3A_219, %parallel_loop3A_260 : i32
        %parallel_loop3A_262 = arith.constant 5 : i32
        %parallel_loop3A_263 = arith.index_cast %parallel_loop3A_262 : i32 to index
        %parallel_loop3A_264 = arith.index_cast %parallel_loop3A_261 : i32 to index
        %parallel_loop3A_265 = tpu.vector_load %arg12[%parallel_loop3A_263, %parallel_loop3A_264] {strides = array<i32>} : memref<8x2048xf32, #tpu.memory_space<vmem>>, vector<16xf32>,
        tpu.vector_store %arg12[%parallel_loop3A_263, %parallel_loop3A_264], %parallel_loop3A_259 {strides = array<i32>} : memref<8x2048xf32, #tpu.memory_space<vmem>>, vector<16xf32>,
        %parallel_loop3A_266 = tpu.vector_load_idx %arg8[%broadcast_in_dim3A_15, %parallel_loop3A_223] : memref<8x2048xf32, #tpu.memory_space<vmem>>[vector<16xi32>, vector<16xi32>], vector<16xf32>,
        %parallel_loop3A_267 = arith.constant 16 : i32
        %parallel_loop3A_268 = arith.muli %parallel_loop3A_219, %parallel_loop3A_267 : i32
        %parallel_loop3A_269 = arith.constant 6 : i32
        %parallel_loop3A_270 = arith.index_cast %parallel_loop3A_269 : i32 to index
        %parallel_loop3A_271 = arith.index_cast %parallel_loop3A_268 : i32 to index
        %parallel_loop3A_272 = tpu.vector_load %arg12[%parallel_loop3A_270, %parallel_loop3A_271] {strides = array<i32>} : memref<8x2048xf32, #tpu.memory_space<vmem>>, vector<16xf32>,
        tpu.vector_store %arg12[%parallel_loop3A_270, %parallel_loop3A_271], %parallel_loop3A_266 {strides = array<i32>} : memref<8x2048xf32, #tpu.memory_space<vmem>>, vector<16xf32>,
        %parallel_loop3A_273 = tpu.vector_load_idx %arg8[%broadcast_in_dim3A_17, %parallel_loop3A_223] : memref<8x2048xf32, #tpu.memory_space<vmem>>[vector<16xi32>, vector<16xi32>], vector<16xf32>,
        %parallel_loop3A_274 = arith.constant 16 : i32
        %parallel_loop3A_275 = arith.muli %parallel_loop3A_219, %parallel_loop3A_274 : i32
        %parallel_loop3A_276 = arith.constant 7 : i32
        %parallel_loop3A_277 = arith.index_cast %parallel_loop3A_276 : i32 to index
        %parallel_loop3A_278 = arith.index_cast %parallel_loop3A_275 : i32 to index
        %parallel_loop3A_279 = tpu.vector_load %arg12[%parallel_loop3A_277, %parallel_loop3A_278] {strides = array<i32>} : memref<8x2048xf32, #tpu.memory_space<vmem>>, vector<16xf32>,
        tpu.vector_store %arg12[%parallel_loop3A_277, %parallel_loop3A_278], %parallel_loop3A_273 {strides = array<i32>} : memref<8x2048xf32, #tpu.memory_space<vmem>>, vector<16xf32>,
      } {sc.loop_unroll_factor = 4 : i64, sc.parallel_access}
      %mul3A_89 = arith.constant 8 : i32
      %mul3A_90 = arith.muli %add3A_75, %mul3A_89 : i32
      %add3A_91 = arith.addi %mul3A_2, %mul3A_90 : i32
      %dma_start3A_92 = arith.constant 0 : i32
      %dma_start3A_93 = arith.constant 0 : i32
      %dma_start3A_94 = tpu.memref_slice %arg5[%add3A_91, %dma_start3A_93] : memref<32768x2048xf32, #tpu.memory_space<hbm>> -> memref<8x2048xf32, #tpu.memory_space<hbm>>
      %dma_start3A_95 = tpu.memref_slice %arg15[%dma_start3A_92] : memref<2x!tpu.dma_semaphore, #tpu.memory_space<semaphore_mem>> -> memref<1x!tpu.dma_semaphore, #tpu.memory_space<semaphore_mem>>
      %dma_start3A_96 = tpu.memref_squeeze %dma_start3A_95 : memref<1x!tpu.dma_semaphore, #tpu.memory_space<semaphore_mem>> -> memref<!tpu.dma_semaphore, #tpu.memory_space<semaphore_mem>>
      %dma_start3A_97 = arith.constant 0 : i32
      %dma_start3A_98 = tpu.memref_slice %arg5[%add3A_91, %dma_start3A_97] : memref<32768x2048xf32, #tpu.memory_space<hbm>> -> memref<8x2048xf32, #tpu.memory_space<hbm>>
      tpu.enqueue_dma source(%arg12 : memref<8x2048xf32, #tpu.memory_space<vmem>>) target(%dma_start3A_98 : memref<8x2048xf32, #tpu.memory_space<hbm>>) target_semaphore(%dma_start3A_96 : memref<!tpu.dma_semaphore, #tpu.memory_space<semaphore_mem>>)
      %add3A_99 = arith.constant 4 : i32
      %add3A_100 = arith.addi %add3A_75, %add3A_99 : i32
      %lt3A = arith.constant 128 : i32
      %lt3A_101 = arith.cmpi slt, %add3A_100, %lt3A : i32
      %convert_element_type3A_102 = arith.extui %lt3A_101 : i1 to i32
      %cond3A_103 = arith.constant 0 : i32
      %cond3A_104 = arith.cmpi ne, %convert_element_type3A_102, %cond3A_103 : i32
      scf.if %cond3A_104 {
        %add3A_219 = arith.constant 4 : i32
        %add3A_220 = arith.addi %add3A_75, %add3A_219 : i32
        %mul3A_221 = arith.constant 8 : i32
        %mul3A_222 = arith.muli %add3A_220, %mul3A_221 : i32
        %dma_start3A_223 = arith.constant 0 : i32
        %dma_start3A_224 = tpu.memref_slice %arg7[%mul3A_222] : memref<1024xi32, #tpu.memory_space<vmem>> -> memref<8xi32, #tpu.memory_space<vmem>>
        %dma_start3A_225 = arith.constant 0 : i32
        %dma_start3A_226 = arith.constant 0 : i32
        %dma_start3A_227 = tpu.memref_slice %arg2[%dma_start3A_225, %dma_start3A_226] : memref<32768x2048xf32, #tpu.memory_space<hbm>> -> memref<32768x2048xf32, #tpu.memory_space<hbm>>
        %dma_start3A_228 = tpu.memref_slice %arg14[%dma_start3A_223] : memref<4x!tpu.dma_semaphore, #tpu.memory_space<semaphore_mem>> -> memref<1x!tpu.dma_semaphore, #tpu.memory_space<semaphore_mem>>
        %dma_start3A_229 = tpu.memref_squeeze %dma_start3A_228 : memref<1x!tpu.dma_semaphore, #tpu.memory_space<semaphore_mem>> -> memref<!tpu.dma_semaphore, #tpu.memory_space<semaphore_mem>>
        tpu.enqueue_indirect_dma source(%dma_start3A_227 : memref<32768x2048xf32, #tpu.memory_space<hbm>>) target(%arg8 : memref<8x2048xf32, #tpu.memory_space<vmem>>) offsets(%dma_start3A_224 : memref<8xi32, #tpu.memory_space<vmem>>) semaphore(%dma_start3A_229 : memref<!tpu.dma_semaphore, #tpu.memory_space<semaphore_mem>>)
      } else {
      }
      %mul3A_105 = arith.constant 4 : i32
      %mul3A_106 = arith.muli %mul3A_105, %scan3A_71 : i32
      %add3A_107 = arith.constant 1 : i32
      %add3A_108 = arith.addi %mul3A_106, %add3A_107 : i32
      %ge3A_109 = arith.constant 2 : i32
      %ge3A_110 = arith.cmpi sge, %add3A_108, %ge3A_109 : i32
      %convert_element_type3A_111 = arith.extui %ge3A_110 : i1 to i32
      %cond3A_112 = arith.constant 0 : i32
      %cond3A_113 = arith.cmpi ne, %convert_element_type3A_111, %cond3A_112 : i32
      scf.if %cond3A_113 {
        %sub3A = arith.constant 2 : i32
        %sub3A_219 = arith.subi %add3A_108, %sub3A : i32
        %mul3A_220 = arith.constant 8 : i32
        %mul3A_221 = arith.muli %sub3A_219, %mul3A_220 : i32
        %add3A_222 = arith.addi %mul3A_2, %mul3A_221 : i32
        %dma_wait3A_223 = arith.constant 1 : i32
        %dma_wait3A_224 = arith.constant 0 : i32
        %dma_wait3A_225 = tpu.memref_slice %arg5[%add3A_222, %dma_wait3A_224] : memref<32768x2048xf32, #tpu.memory_space<hbm>> -> memref<8x2048xf32, #tpu.memory_space<hbm>>
        %dma_wait3A_226 = tpu.memref_slice %arg15[%dma_wait3A_223] : memref<2x!tpu.dma_semaphore, #tpu.memory_space<semaphore_mem>> -> memref<1x!tpu.dma_semaphore, #tpu.memory_space<semaphore_mem>>
        %dma_wait3A_227 = tpu.memref_squeeze %dma_wait3A_226 : memref<1x!tpu.dma_semaphore, #tpu.memory_space<semaphore_mem>> -> memref<!tpu.dma_semaphore, #tpu.memory_space<semaphore_mem>>
        %dma_wait3A_228 = arith.constant 0 : i32
        %dma_wait3A_229 = tpu.memref_slice %arg5[%add3A_222, %dma_wait3A_228] : memref<32768x2048xf32, #tpu.memory_space<hbm>> -> memref<8x2048xf32, #tpu.memory_space<hbm>>
        tpu.wait_dma2 semaphore(%dma_wait3A_227 : memref<!tpu.dma_semaphore, #tpu.memory_space<semaphore_mem>>) src(%arg13 : memref<8x2048xf32, #tpu.memory_space<vmem>>) dst(%dma_wait3A_229 : memref<8x2048xf32, #tpu.memory_space<hbm>>)
      } else {
      }
      %mul3A_114 = arith.constant 8 : i32
      %mul3A_115 = arith.muli %add3A_108, %mul3A_114 : i32
      %dma_wait3A_116 = arith.constant 1 : i32
      %dma_wait3A_117 = tpu.memref_slice %arg7[%mul3A_115] : memref<1024xi32, #tpu.memory_space<vmem>> -> memref<8xi32, #tpu.memory_space<vmem>>
      %dma_wait3A_118 = arith.constant 0 : i32
      %dma_wait3A_119 = arith.constant 0 : i32
      %dma_wait3A_120 = tpu.memref_slice %arg2[%dma_wait3A_118, %dma_wait3A_119] : memref<32768x2048xf32, #tpu.memory_space<hbm>> -> memref<32768x2048xf32, #tpu.memory_space<hbm>>
      %dma_wait3A_121 = tpu.memref_slice %arg14[%dma_wait3A_116] : memref<4x!tpu.dma_semaphore, #tpu.memory_space<semaphore_mem>> -> memref<1x!tpu.dma_semaphore, #tpu.memory_space<semaphore_mem>>
      %dma_wait3A_122 = tpu.memref_squeeze %dma_wait3A_121 : memref<1x!tpu.dma_semaphore, #tpu.memory_space<semaphore_mem>> -> memref<!tpu.dma_semaphore, #tpu.memory_space<semaphore_mem>>
      tpu.wait_indirect_dma semaphore(%dma_wait3A_122 : memref<!tpu.dma_semaphore, #tpu.memory_space<semaphore_mem>>) src(%dma_wait3A_120 : memref<32768x2048xf32, #tpu.memory_space<hbm>>) dst(%arg9 : memref<8x2048xf32, #tpu.memory_space<vmem>>)
      %parallel_loop3A_123 = arith.constant 0 : i32
      %parallel_loop3A_124 = arith.constant 128 : i32
      %parallel_loop3A_125 = arith.constant 1 : i32
      scf.for %parallel_loop3A_219 = %parallel_loop3A_123 to %parallel_loop3A_124 step %parallel_loop3A_125  : i32 {
        %parallel_loop3A_220 = arith.constant 16 : i32
        %parallel_loop3A_221 = arith.muli %parallel_loop3A_219, %parallel_loop3A_220 : i32
        %parallel_loop3A_222 = arith.index_cast %parallel_loop3A_221 : i32 to index
        %parallel_loop3A_223 = tpu.vector_load %arg6[%parallel_loop3A_222] {strides = array<i32>} : memref<2048xi32, #tpu.memory_space<vmem>>, vector<16xi32>,
        %parallel_loop3A_224 = tpu.vector_load_idx %arg9[%broadcast_in_dim3A_3, %parallel_loop3A_223] : memref<8x2048xf32, #tpu.memory_space<vmem>>[vector<16xi32>, vector<16xi32>], vector<16xf32>,
        %parallel_loop3A_225 = arith.constant 16 : i32
        %parallel_loop3A_226 = arith.muli %parallel_loop3A_219, %parallel_loop3A_225 : i32
        %parallel_loop3A_227 = arith.constant 0 : i32
        %parallel_loop3A_228 = arith.index_cast %parallel_loop3A_227 : i32 to index
        %parallel_loop3A_229 = arith.index_cast %parallel_loop3A_226 : i32 to index
        %parallel_loop3A_230 = tpu.vector_load %arg13[%parallel_loop3A_228, %parallel_loop3A_229] {strides = array<i32>} : memref<8x2048xf32, #tpu.memory_space<vmem>>, vector<16xf32>,
        tpu.vector_store %arg13[%parallel_loop3A_228, %parallel_loop3A_229], %parallel_loop3A_224 {strides = array<i32>} : memref<8x2048xf32, #tpu.memory_space<vmem>>, vector<16xf32>,
        %parallel_loop3A_231 = tpu.vector_load_idx %arg9[%broadcast_in_dim3A_5, %parallel_loop3A_223] : memref<8x2048xf32, #tpu.memory_space<vmem>>[vector<16xi32>, vector<16xi32>], vector<16xf32>,
        %parallel_loop3A_232 = arith.constant 16 : i32
        %parallel_loop3A_233 = arith.muli %parallel_loop3A_219, %parallel_loop3A_232 : i32
        %parallel_loop3A_234 = arith.constant 1 : i32
        %parallel_loop3A_235 = arith.index_cast %parallel_loop3A_234 : i32 to index
        %parallel_loop3A_236 = arith.index_cast %parallel_loop3A_233 : i32 to index
        %parallel_loop3A_237 = tpu.vector_load %arg13[%parallel_loop3A_235, %parallel_loop3A_236] {strides = array<i32>} : memref<8x2048xf32, #tpu.memory_space<vmem>>, vector<16xf32>,
        tpu.vector_store %arg13[%parallel_loop3A_235, %parallel_loop3A_236], %parallel_loop3A_231 {strides = array<i32>} : memref<8x2048xf32, #tpu.memory_space<vmem>>, vector<16xf32>,
        %parallel_loop3A_238 = tpu.vector_load_idx %arg9[%broadcast_in_dim3A_7, %parallel_loop3A_223] : memref<8x2048xf32, #tpu.memory_space<vmem>>[vector<16xi32>, vector<16xi32>], vector<16xf32>,
        %parallel_loop3A_239 = arith.constant 16 : i32
        %parallel_loop3A_240 = arith.muli %parallel_loop3A_219, %parallel_loop3A_239 : i32
        %parallel_loop3A_241 = arith.constant 2 : i32
        %parallel_loop3A_242 = arith.index_cast %parallel_loop3A_241 : i32 to index
        %parallel_loop3A_243 = arith.index_cast %parallel_loop3A_240 : i32 to index
        %parallel_loop3A_244 = tpu.vector_load %arg13[%parallel_loop3A_242, %parallel_loop3A_243] {strides = array<i32>} : memref<8x2048xf32, #tpu.memory_space<vmem>>, vector<16xf32>,
        tpu.vector_store %arg13[%parallel_loop3A_242, %parallel_loop3A_243], %parallel_loop3A_238 {strides = array<i32>} : memref<8x2048xf32, #tpu.memory_space<vmem>>, vector<16xf32>,
        %parallel_loop3A_245 = tpu.vector_load_idx %arg9[%broadcast_in_dim3A_9, %parallel_loop3A_223] : memref<8x2048xf32, #tpu.memory_space<vmem>>[vector<16xi32>, vector<16xi32>], vector<16xf32>,
        %parallel_loop3A_246 = arith.constant 16 : i32
        %parallel_loop3A_247 = arith.muli %parallel_loop3A_219, %parallel_loop3A_246 : i32
        %parallel_loop3A_248 = arith.constant 3 : i32
        %parallel_loop3A_249 = arith.index_cast %parallel_loop3A_248 : i32 to index
        %parallel_loop3A_250 = arith.index_cast %parallel_loop3A_247 : i32 to index
        %parallel_loop3A_251 = tpu.vector_load %arg13[%parallel_loop3A_249, %parallel_loop3A_250] {strides = array<i32>} : memref<8x2048xf32, #tpu.memory_space<vmem>>, vector<16xf32>,
        tpu.vector_store %arg13[%parallel_loop3A_249, %parallel_loop3A_250], %parallel_loop3A_245 {strides = array<i32>} : memref<8x2048xf32, #tpu.memory_space<vmem>>, vector<16xf32>,
        %parallel_loop3A_252 = tpu.vector_load_idx %arg9[%broadcast_in_dim3A_11, %parallel_loop3A_223] : memref<8x2048xf32, #tpu.memory_space<vmem>>[vector<16xi32>, vector<16xi32>], vector<16xf32>,
        %parallel_loop3A_253 = arith.constant 16 : i32
        %parallel_loop3A_254 = arith.muli %parallel_loop3A_219, %parallel_loop3A_253 : i32
        %parallel_loop3A_255 = arith.constant 4 : i32
        %parallel_loop3A_256 = arith.index_cast %parallel_loop3A_255 : i32 to index
        %parallel_loop3A_257 = arith.index_cast %parallel_loop3A_254 : i32 to index
        %parallel_loop3A_258 = tpu.vector_load %arg13[%parallel_loop3A_256, %parallel_loop3A_257] {strides = array<i32>} : memref<8x2048xf32, #tpu.memory_space<vmem>>, vector<16xf32>,
        tpu.vector_store %arg13[%parallel_loop3A_256, %parallel_loop3A_257], %parallel_loop3A_252 {strides = array<i32>} : memref<8x2048xf32, #tpu.memory_space<vmem>>, vector<16xf32>,
        %parallel_loop3A_259 = tpu.vector_load_idx %arg9[%broadcast_in_dim3A_13, %parallel_loop3A_223] : memref<8x2048xf32, #tpu.memory_space<vmem>>[vector<16xi32>, vector<16xi32>], vector<16xf32>,
        %parallel_loop3A_260 = arith.constant 16 : i32
        %parallel_loop3A_261 = arith.muli %parallel_loop3A_219, %parallel_loop3A_260 : i32
        %parallel_loop3A_262 = arith.constant 5 : i32
        %parallel_loop3A_263 = arith.index_cast %parallel_loop3A_262 : i32 to index
        %parallel_loop3A_264 = arith.index_cast %parallel_loop3A_261 : i32 to index
        %parallel_loop3A_265 = tpu.vector_load %arg13[%parallel_loop3A_263, %parallel_loop3A_264] {strides = array<i32>} : memref<8x2048xf32, #tpu.memory_space<vmem>>, vector<16xf32>,
        tpu.vector_store %arg13[%parallel_loop3A_263, %parallel_loop3A_264], %parallel_loop3A_259 {strides = array<i32>} : memref<8x2048xf32, #tpu.memory_space<vmem>>, vector<16xf32>,
        %parallel_loop3A_266 = tpu.vector_load_idx %arg9[%broadcast_in_dim3A_15, %parallel_loop3A_223] : memref<8x2048xf32, #tpu.memory_space<vmem>>[vector<16xi32>, vector<16xi32>], vector<16xf32>,
        %parallel_loop3A_267 = arith.constant 16 : i32
        %parallel_loop3A_268 = arith.muli %parallel_loop3A_219, %parallel_loop3A_267 : i32
        %parallel_loop3A_269 = arith.constant 6 : i32
        %parallel_loop3A_270 = arith.index_cast %parallel_loop3A_269 : i32 to index
        %parallel_loop3A_271 = arith.index_cast %parallel_loop3A_268 : i32 to index
        %parallel_loop3A_272 = tpu.vector_load %arg13[%parallel_loop3A_270, %parallel_loop3A_271] {strides = array<i32>} : memref<8x2048xf32, #tpu.memory_space<vmem>>, vector<16xf32>,
        tpu.vector_store %arg13[%parallel_loop3A_270, %parallel_loop3A_271], %parallel_loop3A_266 {strides = array<i32>} : memref<8x2048xf32, #tpu.memory_space<vmem>>, vector<16xf32>,
        %parallel_loop3A_273 = tpu.vector_load_idx %arg9[%broadcast_in_dim3A_17, %parallel_loop3A_223] : memref<8x2048xf32, #tpu.memory_space<vmem>>[vector<16xi32>, vector<16xi32>], vector<16xf32>,
        %parallel_loop3A_274 = arith.constant 16 : i32
        %parallel_loop3A_275 = arith.muli %parallel_loop3A_219, %parallel_loop3A_274 : i32
        %parallel_loop3A_276 = arith.constant 7 : i32
        %parallel_loop3A_277 = arith.index_cast %parallel_loop3A_276 : i32 to index
        %parallel_loop3A_278 = arith.index_cast %parallel_loop3A_275 : i32 to index
        %parallel_loop3A_279 = tpu.vector_load %arg13[%parallel_loop3A_277, %parallel_loop3A_278] {strides = array<i32>} : memref<8x2048xf32, #tpu.memory_space<vmem>>, vector<16xf32>,
        tpu.vector_store %arg13[%parallel_loop3A_277, %parallel_loop3A_278], %parallel_loop3A_273 {strides = array<i32>} : memref<8x2048xf32, #tpu.memory_space<vmem>>, vector<16xf32>,
      } {sc.loop_unroll_factor = 4 : i64, sc.parallel_access}
      %mul3A_126 = arith.constant 8 : i32
      %mul3A_127 = arith.muli %add3A_108, %mul3A_126 : i32
      %add3A_128 = arith.addi %mul3A_2, %mul3A_127 : i32
      %dma_start3A_129 = arith.constant 1 : i32
      %dma_start3A_130 = arith.constant 0 : i32
      %dma_start3A_131 = tpu.memref_slice %arg5[%add3A_128, %dma_start3A_130] : memref<32768x2048xf32, #tpu.memory_space<hbm>> -> memref<8x2048xf32, #tpu.memory_space<hbm>>
      %dma_start3A_132 = tpu.memref_slice %arg15[%dma_start3A_129] : memref<2x!tpu.dma_semaphore, #tpu.memory_space<semaphore_mem>> -> memref<1x!tpu.dma_semaphore, #tpu.memory_space<semaphore_mem>>
      %dma_start3A_133 = tpu.memref_squeeze %dma_start3A_132 : memref<1x!tpu.dma_semaphore, #tpu.memory_space<semaphore_mem>> -> memref<!tpu.dma_semaphore, #tpu.memory_space<semaphore_mem>>
      %dma_start3A_134 = arith.constant 0 : i32
      %dma_start3A_135 = tpu.memref_slice %arg5[%add3A_128, %dma_start3A_134] : memref<32768x2048xf32, #tpu.memory_space<hbm>> -> memref<8x2048xf32, #tpu.memory_space<hbm>>
      tpu.enqueue_dma source(%arg13 : memref<8x2048xf32, #tpu.memory_space<vmem>>) target(%dma_start3A_135 : memref<8x2048xf32, #tpu.memory_space<hbm>>) target_semaphore(%dma_start3A_133 : memref<!tpu.dma_semaphore, #tpu.memory_space<semaphore_mem>>)
      %add3A_136 = arith.constant 4 : i32
      %add3A_137 = arith.addi %add3A_108, %add3A_136 : i32
      %lt3A_138 = arith.constant 128 : i32
      %lt3A_139 = arith.cmpi slt, %add3A_137, %lt3A_138 : i32
      %convert_element_type3A_140 = arith.extui %lt3A_139 : i1 to i32
      %cond3A_141 = arith.constant 0 : i32
      %cond3A_142 = arith.cmpi ne, %convert_element_type3A_140, %cond3A_141 : i32
      scf.if %cond3A_142 {
        %add3A_219 = arith.constant 4 : i32
        %add3A_220 = arith.addi %add3A_108, %add3A_219 : i32
        %mul3A_221 = arith.constant 8 : i32
        %mul3A_222 = arith.muli %add3A_220, %mul3A_221 : i32
        %dma_start3A_223 = arith.constant 1 : i32
        %dma_start3A_224 = tpu.memref_slice %arg7[%mul3A_222] : memref<1024xi32, #tpu.memory_space<vmem>> -> memref<8xi32, #tpu.memory_space<vmem>>
        %dma_start3A_225 = arith.constant 0 : i32
        %dma_start3A_226 = arith.constant 0 : i32
        %dma_start3A_227 = tpu.memref_slice %arg2[%dma_start3A_225, %dma_start3A_226] : memref<32768x2048xf32, #tpu.memory_space<hbm>> -> memref<32768x2048xf32, #tpu.memory_space<hbm>>
        %dma_start3A_228 = tpu.memref_slice %arg14[%dma_start3A_223] : memref<4x!tpu.dma_semaphore, #tpu.memory_space<semaphore_mem>> -> memref<1x!tpu.dma_semaphore, #tpu.memory_space<semaphore_mem>>
        %dma_start3A_229 = tpu.memref_squeeze %dma_start3A_228 : memref<1x!tpu.dma_semaphore, #tpu.memory_space<semaphore_mem>> -> memref<!tpu.dma_semaphore, #tpu.memory_space<semaphore_mem>>
        tpu.enqueue_indirect_dma source(%dma_start3A_227 : memref<32768x2048xf32, #tpu.memory_space<hbm>>) target(%arg9 : memref<8x2048xf32, #tpu.memory_space<vmem>>) offsets(%dma_start3A_224 : memref<8xi32, #tpu.memory_space<vmem>>) semaphore(%dma_start3A_229 : memref<!tpu.dma_semaphore, #tpu.memory_space<semaphore_mem>>)
      } else {
      }
      %mul3A_143 = arith.constant 4 : i32
      %mul3A_144 = arith.muli %mul3A_143, %scan3A_71 : i32
      %add3A_145 = arith.constant 2 : i32
      %add3A_146 = arith.addi %mul3A_144, %add3A_145 : i32
      %ge3A_147 = arith.constant 2 : i32
      %ge3A_148 = arith.cmpi sge, %add3A_146, %ge3A_147 : i32
      %convert_element_type3A_149 = arith.extui %ge3A_148 : i1 to i32
      %cond3A_150 = arith.constant 0 : i32
      %cond3A_151 = arith.cmpi ne, %convert_element_type3A_149, %cond3A_150 : i32
      scf.if %cond3A_151 {
        %sub3A = arith.constant 2 : i32
        %sub3A_219 = arith.subi %add3A_146, %sub3A : i32
        %mul3A_220 = arith.constant 8 : i32
        %mul3A_221 = arith.muli %sub3A_219, %mul3A_220 : i32
        %add3A_222 = arith.addi %mul3A_2, %mul3A_221 : i32
        %dma_wait3A_223 = arith.constant 0 : i32
        %dma_wait3A_224 = arith.constant 0 : i32
        %dma_wait3A_225 = tpu.memref_slice %arg5[%add3A_222, %dma_wait3A_224] : memref<32768x2048xf32, #tpu.memory_space<hbm>> -> memref<8x2048xf32, #tpu.memory_space<hbm>>
        %dma_wait3A_226 = tpu.memref_slice %arg15[%dma_wait3A_223] : memref<2x!tpu.dma_semaphore, #tpu.memory_space<semaphore_mem>> -> memref<1x!tpu.dma_semaphore, #tpu.memory_space<semaphore_mem>>
        %dma_wait3A_227 = tpu.memref_squeeze %dma_wait3A_226 : memref<1x!tpu.dma_semaphore, #tpu.memory_space<semaphore_mem>> -> memref<!tpu.dma_semaphore, #tpu.memory_space<semaphore_mem>>
        %dma_wait3A_228 = arith.constant 0 : i32
        %dma_wait3A_229 = tpu.memref_slice %arg5[%add3A_222, %dma_wait3A_228] : memref<32768x2048xf32, #tpu.memory_space<hbm>> -> memref<8x2048xf32, #tpu.memory_space<hbm>>
        tpu.wait_dma2 semaphore(%dma_wait3A_227 : memref<!tpu.dma_semaphore, #tpu.memory_space<semaphore_mem>>) src(%arg12 : memref<8x2048xf32, #tpu.memory_space<vmem>>) dst(%dma_wait3A_229 : memref<8x2048xf32, #tpu.memory_space<hbm>>)
      } else {
      }
      %mul3A_152 = arith.constant 8 : i32
      %mul3A_153 = arith.muli %add3A_146, %mul3A_152 : i32
      %dma_wait3A_154 = arith.constant 2 : i32
      %dma_wait3A_155 = tpu.memref_slice %arg7[%mul3A_153] : memref<1024xi32, #tpu.memory_space<vmem>> -> memref<8xi32, #tpu.memory_space<vmem>>
      %dma_wait3A_156 = arith.constant 0 : i32
      %dma_wait3A_157 = arith.constant 0 : i32
      %dma_wait3A_158 = tpu.memref_slice %arg2[%dma_wait3A_156, %dma_wait3A_157] : memref<32768x2048xf32, #tpu.memory_space<hbm>> -> memref<32768x2048xf32, #tpu.memory_space<hbm>>
      %dma_wait3A_159 = tpu.memref_slice %arg14[%dma_wait3A_154] : memref<4x!tpu.dma_semaphore, #tpu.memory_space<semaphore_mem>> -> memref<1x!tpu.dma_semaphore, #tpu.memory_space<semaphore_mem>>
      %dma_wait3A_160 = tpu.memref_squeeze %dma_wait3A_159 : memref<1x!tpu.dma_semaphore, #tpu.memory_space<semaphore_mem>> -> memref<!tpu.dma_semaphore, #tpu.memory_space<semaphore_mem>>
      tpu.wait_indirect_dma semaphore(%dma_wait3A_160 : memref<!tpu.dma_semaphore, #tpu.memory_space<semaphore_mem>>) src(%dma_wait3A_158 : memref<32768x2048xf32, #tpu.memory_space<hbm>>) dst(%arg10 : memref<8x2048xf32, #tpu.memory_space<vmem>>)
      %parallel_loop3A_161 = arith.constant 0 : i32
      %parallel_loop3A_162 = arith.constant 128 : i32
      %parallel_loop3A_163 = arith.constant 1 : i32
      scf.for %parallel_loop3A_219 = %parallel_loop3A_161 to %parallel_loop3A_162 step %parallel_loop3A_163  : i32 {
        %parallel_loop3A_220 = arith.constant 16 : i32
        %parallel_loop3A_221 = arith.muli %parallel_loop3A_219, %parallel_loop3A_220 : i32
        %parallel_loop3A_222 = arith.index_cast %parallel_loop3A_221 : i32 to index
        %parallel_loop3A_223 = tpu.vector_load %arg6[%parallel_loop3A_222] {strides = array<i32>} : memref<2048xi32, #tpu.memory_space<vmem>>, vector<16xi32>,
        %parallel_loop3A_224 = tpu.vector_load_idx %arg10[%broadcast_in_dim3A_3, %parallel_loop3A_223] : memref<8x2048xf32, #tpu.memory_space<vmem>>[vector<16xi32>, vector<16xi32>], vector<16xf32>,
        %parallel_loop3A_225 = arith.constant 16 : i32
        %parallel_loop3A_226 = arith.muli %parallel_loop3A_219, %parallel_loop3A_225 : i32
        %parallel_loop3A_227 = arith.constant 0 : i32
        %parallel_loop3A_228 = arith.index_cast %parallel_loop3A_227 : i32 to index
        %parallel_loop3A_229 = arith.index_cast %parallel_loop3A_226 : i32 to index
        %parallel_loop3A_230 = tpu.vector_load %arg12[%parallel_loop3A_228, %parallel_loop3A_229] {strides = array<i32>} : memref<8x2048xf32, #tpu.memory_space<vmem>>, vector<16xf32>,
        tpu.vector_store %arg12[%parallel_loop3A_228, %parallel_loop3A_229], %parallel_loop3A_224 {strides = array<i32>} : memref<8x2048xf32, #tpu.memory_space<vmem>>, vector<16xf32>,
        %parallel_loop3A_231 = tpu.vector_load_idx %arg10[%broadcast_in_dim3A_5, %parallel_loop3A_223] : memref<8x2048xf32, #tpu.memory_space<vmem>>[vector<16xi32>, vector<16xi32>], vector<16xf32>,
        %parallel_loop3A_232 = arith.constant 16 : i32
        %parallel_loop3A_233 = arith.muli %parallel_loop3A_219, %parallel_loop3A_232 : i32
        %parallel_loop3A_234 = arith.constant 1 : i32
        %parallel_loop3A_235 = arith.index_cast %parallel_loop3A_234 : i32 to index
        %parallel_loop3A_236 = arith.index_cast %parallel_loop3A_233 : i32 to index
        %parallel_loop3A_237 = tpu.vector_load %arg12[%parallel_loop3A_235, %parallel_loop3A_236] {strides = array<i32>} : memref<8x2048xf32, #tpu.memory_space<vmem>>, vector<16xf32>,
        tpu.vector_store %arg12[%parallel_loop3A_235, %parallel_loop3A_236], %parallel_loop3A_231 {strides = array<i32>} : memref<8x2048xf32, #tpu.memory_space<vmem>>, vector<16xf32>,
        %parallel_loop3A_238 = tpu.vector_load_idx %arg10[%broadcast_in_dim3A_7, %parallel_loop3A_223] : memref<8x2048xf32, #tpu.memory_space<vmem>>[vector<16xi32>, vector<16xi32>], vector<16xf32>,
        %parallel_loop3A_239 = arith.constant 16 : i32
        %parallel_loop3A_240 = arith.muli %parallel_loop3A_219, %parallel_loop3A_239 : i32
        %parallel_loop3A_241 = arith.constant 2 : i32
        %parallel_loop3A_242 = arith.index_cast %parallel_loop3A_241 : i32 to index
        %parallel_loop3A_243 = arith.index_cast %parallel_loop3A_240 : i32 to index
        %parallel_loop3A_244 = tpu.vector_load %arg12[%parallel_loop3A_242, %parallel_loop3A_243] {strides = array<i32>} : memref<8x2048xf32, #tpu.memory_space<vmem>>, vector<16xf32>,
        tpu.vector_store %arg12[%parallel_loop3A_242, %parallel_loop3A_243], %parallel_loop3A_238 {strides = array<i32>} : memref<8x2048xf32, #tpu.memory_space<vmem>>, vector<16xf32>,
        %parallel_loop3A_245 = tpu.vector_load_idx %arg10[%broadcast_in_dim3A_9, %parallel_loop3A_223] : memref<8x2048xf32, #tpu.memory_space<vmem>>[vector<16xi32>, vector<16xi32>], vector<16xf32>,
        %parallel_loop3A_246 = arith.constant 16 : i32
        %parallel_loop3A_247 = arith.muli %parallel_loop3A_219, %parallel_loop3A_246 : i32
        %parallel_loop3A_248 = arith.constant 3 : i32
        %parallel_loop3A_249 = arith.index_cast %parallel_loop3A_248 : i32 to index
        %parallel_loop3A_250 = arith.index_cast %parallel_loop3A_247 : i32 to index
        %parallel_loop3A_251 = tpu.vector_load %arg12[%parallel_loop3A_249, %parallel_loop3A_250] {strides = array<i32>} : memref<8x2048xf32, #tpu.memory_space<vmem>>, vector<16xf32>,
        tpu.vector_store %arg12[%parallel_loop3A_249, %parallel_loop3A_250], %parallel_loop3A_245 {strides = array<i32>} : memref<8x2048xf32, #tpu.memory_space<vmem>>, vector<16xf32>,
        %parallel_loop3A_252 = tpu.vector_load_idx %arg10[%broadcast_in_dim3A_11, %parallel_loop3A_223] : memref<8x2048xf32, #tpu.memory_space<vmem>>[vector<16xi32>, vector<16xi32>], vector<16xf32>,
        %parallel_loop3A_253 = arith.constant 16 : i32
        %parallel_loop3A_254 = arith.muli %parallel_loop3A_219, %parallel_loop3A_253 : i32
        %parallel_loop3A_255 = arith.constant 4 : i32
        %parallel_loop3A_256 = arith.index_cast %parallel_loop3A_255 : i32 to index
        %parallel_loop3A_257 = arith.index_cast %parallel_loop3A_254 : i32 to index
        %parallel_loop3A_258 = tpu.vector_load %arg12[%parallel_loop3A_256, %parallel_loop3A_257] {strides = array<i32>} : memref<8x2048xf32, #tpu.memory_space<vmem>>, vector<16xf32>,
        tpu.vector_store %arg12[%parallel_loop3A_256, %parallel_loop3A_257], %parallel_loop3A_252 {strides = array<i32>} : memref<8x2048xf32, #tpu.memory_space<vmem>>, vector<16xf32>,
        %parallel_loop3A_259 = tpu.vector_load_idx %arg10[%broadcast_in_dim3A_13, %parallel_loop3A_223] : memref<8x2048xf32, #tpu.memory_space<vmem>>[vector<16xi32>, vector<16xi32>], vector<16xf32>,
        %parallel_loop3A_260 = arith.constant 16 : i32
        %parallel_loop3A_261 = arith.muli %parallel_loop3A_219, %parallel_loop3A_260 : i32
        %parallel_loop3A_262 = arith.constant 5 : i32
        %parallel_loop3A_263 = arith.index_cast %parallel_loop3A_262 : i32 to index
        %parallel_loop3A_264 = arith.index_cast %parallel_loop3A_261 : i32 to index
        %parallel_loop3A_265 = tpu.vector_load %arg12[%parallel_loop3A_263, %parallel_loop3A_264] {strides = array<i32>} : memref<8x2048xf32, #tpu.memory_space<vmem>>, vector<16xf32>,
        tpu.vector_store %arg12[%parallel_loop3A_263, %parallel_loop3A_264], %parallel_loop3A_259 {strides = array<i32>} : memref<8x2048xf32, #tpu.memory_space<vmem>>, vector<16xf32>,
        %parallel_loop3A_266 = tpu.vector_load_idx %arg10[%broadcast_in_dim3A_15, %parallel_loop3A_223] : memref<8x2048xf32, #tpu.memory_space<vmem>>[vector<16xi32>, vector<16xi32>], vector<16xf32>,
        %parallel_loop3A_267 = arith.constant 16 : i32
        %parallel_loop3A_268 = arith.muli %parallel_loop3A_219, %parallel_loop3A_267 : i32
        %parallel_loop3A_269 = arith.constant 6 : i32
        %parallel_loop3A_270 = arith.index_cast %parallel_loop3A_269 : i32 to index
        %parallel_loop3A_271 = arith.index_cast %parallel_loop3A_268 : i32 to index
        %parallel_loop3A_272 = tpu.vector_load %arg12[%parallel_loop3A_270, %parallel_loop3A_271] {strides = array<i32>} : memref<8x2048xf32, #tpu.memory_space<vmem>>, vector<16xf32>,
        tpu.vector_store %arg12[%parallel_loop3A_270, %parallel_loop3A_271], %parallel_loop3A_266 {strides = array<i32>} : memref<8x2048xf32, #tpu.memory_space<vmem>>, vector<16xf32>,
        %parallel_loop3A_273 = tpu.vector_load_idx %arg10[%broadcast_in_dim3A_17, %parallel_loop3A_223] : memref<8x2048xf32, #tpu.memory_space<vmem>>[vector<16xi32>, vector<16xi32>], vector<16xf32>,
        %parallel_loop3A_274 = arith.constant 16 : i32
        %parallel_loop3A_275 = arith.muli %parallel_loop3A_219, %parallel_loop3A_274 : i32
        %parallel_loop3A_276 = arith.constant 7 : i32
        %parallel_loop3A_277 = arith.index_cast %parallel_loop3A_276 : i32 to index
        %parallel_loop3A_278 = arith.index_cast %parallel_loop3A_275 : i32 to index
        %parallel_loop3A_279 = tpu.vector_load %arg12[%parallel_loop3A_277, %parallel_loop3A_278] {strides = array<i32>} : memref<8x2048xf32, #tpu.memory_space<vmem>>, vector<16xf32>,
        tpu.vector_store %arg12[%parallel_loop3A_277, %parallel_loop3A_278], %parallel_loop3A_273 {strides = array<i32>} : memref<8x2048xf32, #tpu.memory_space<vmem>>, vector<16xf32>,
      } {sc.loop_unroll_factor = 4 : i64, sc.parallel_access}
      %mul3A_164 = arith.constant 8 : i32
      %mul3A_165 = arith.muli %add3A_146, %mul3A_164 : i32
      %add3A_166 = arith.addi %mul3A_2, %mul3A_165 : i32
      %dma_start3A_167 = arith.constant 0 : i32
      %dma_start3A_168 = arith.constant 0 : i32
      %dma_start3A_169 = tpu.memref_slice %arg5[%add3A_166, %dma_start3A_168] : memref<32768x2048xf32, #tpu.memory_space<hbm>> -> memref<8x2048xf32, #tpu.memory_space<hbm>>
      %dma_start3A_170 = tpu.memref_slice %arg15[%dma_start3A_167] : memref<2x!tpu.dma_semaphore, #tpu.memory_space<semaphore_mem>> -> memref<1x!tpu.dma_semaphore, #tpu.memory_space<semaphore_mem>>
      %dma_start3A_171 = tpu.memref_squeeze %dma_start3A_170 : memref<1x!tpu.dma_semaphore, #tpu.memory_space<semaphore_mem>> -> memref<!tpu.dma_semaphore, #tpu.memory_space<semaphore_mem>>
      %dma_start3A_172 = arith.constant 0 : i32
      %dma_start3A_173 = tpu.memref_slice %arg5[%add3A_166, %dma_start3A_172] : memref<32768x2048xf32, #tpu.memory_space<hbm>> -> memref<8x2048xf32, #tpu.memory_space<hbm>>
      tpu.enqueue_dma source(%arg12 : memref<8x2048xf32, #tpu.memory_space<vmem>>) target(%dma_start3A_173 : memref<8x2048xf32, #tpu.memory_space<hbm>>) target_semaphore(%dma_start3A_171 : memref<!tpu.dma_semaphore, #tpu.memory_space<semaphore_mem>>)
      %add3A_174 = arith.constant 4 : i32
      %add3A_175 = arith.addi %add3A_146, %add3A_174 : i32
      %lt3A_176 = arith.constant 128 : i32
      %lt3A_177 = arith.cmpi slt, %add3A_175, %lt3A_176 : i32
      %convert_element_type3A_178 = arith.extui %lt3A_177 : i1 to i32
      %cond3A_179 = arith.constant 0 : i32
      %cond3A_180 = arith.cmpi ne, %convert_element_type3A_178, %cond3A_179 : i32
      scf.if %cond3A_180 {
        %add3A_219 = arith.constant 4 : i32
        %add3A_220 = arith.addi %add3A_146, %add3A_219 : i32
        %mul3A_221 = arith.constant 8 : i32
        %mul3A_222 = arith.muli %add3A_220, %mul3A_221 : i32
        %dma_start3A_223 = arith.constant 2 : i32
        %dma_start3A_224 = tpu.memref_slice %arg7[%mul3A_222] : memref<1024xi32, #tpu.memory_space<vmem>> -> memref<8xi32, #tpu.memory_space<vmem>>
        %dma_start3A_225 = arith.constant 0 : i32
        %dma_start3A_226 = arith.constant 0 : i32
        %dma_start3A_227 = tpu.memref_slice %arg2[%dma_start3A_225, %dma_start3A_226] : memref<32768x2048xf32, #tpu.memory_space<hbm>> -> memref<32768x2048xf32, #tpu.memory_space<hbm>>
        %dma_start3A_228 = tpu.memref_slice %arg14[%dma_start3A_223] : memref<4x!tpu.dma_semaphore, #tpu.memory_space<semaphore_mem>> -> memref<1x!tpu.dma_semaphore, #tpu.memory_space<semaphore_mem>>
        %dma_start3A_229 = tpu.memref_squeeze %dma_start3A_228 : memref<1x!tpu.dma_semaphore, #tpu.memory_space<semaphore_mem>> -> memref<!tpu.dma_semaphore, #tpu.memory_space<semaphore_mem>>
        tpu.enqueue_indirect_dma source(%dma_start3A_227 : memref<32768x2048xf32, #tpu.memory_space<hbm>>) target(%arg10 : memref<8x2048xf32, #tpu.memory_space<vmem>>) offsets(%dma_start3A_224 : memref<8xi32, #tpu.memory_space<vmem>>) semaphore(%dma_start3A_229 : memref<!tpu.dma_semaphore, #tpu.memory_space<semaphore_mem>>)
      } else {
      }
      %mul3A_181 = arith.constant 4 : i32
      %mul3A_182 = arith.muli %mul3A_181, %scan3A_71 : i32
      %add3A_183 = arith.constant 3 : i32
      %add3A_184 = arith.addi %mul3A_182, %add3A_183 : i32
      %ge3A_185 = arith.constant 2 : i32
      %ge3A_186 = arith.cmpi sge, %add3A_184, %ge3A_185 : i32
      %convert_element_type3A_187 = arith.extui %ge3A_186 : i1 to i32
      %cond3A_188 = arith.constant 0 : i32
      %cond3A_189 = arith.cmpi ne, %convert_element_type3A_187, %cond3A_188 : i32
      scf.if %cond3A_189 {
        %sub3A = arith.constant 2 : i32
        %sub3A_219 = arith.subi %add3A_184, %sub3A : i32
        %mul3A_220 = arith.constant 8 : i32
        %mul3A_221 = arith.muli %sub3A_219, %mul3A_220 : i32
        %add3A_222 = arith.addi %mul3A_2, %mul3A_221 : i32
        %dma_wait3A_223 = arith.constant 1 : i32
        %dma_wait3A_224 = arith.constant 0 : i32
        %dma_wait3A_225 = tpu.memref_slice %arg5[%add3A_222, %dma_wait3A_224] : memref<32768x2048xf32, #tpu.memory_space<hbm>> -> memref<8x2048xf32, #tpu.memory_space<hbm>>
        %dma_wait3A_226 = tpu.memref_slice %arg15[%dma_wait3A_223] : memref<2x!tpu.dma_semaphore, #tpu.memory_space<semaphore_mem>> -> memref<1x!tpu.dma_semaphore, #tpu.memory_space<semaphore_mem>>
        %dma_wait3A_227 = tpu.memref_squeeze %dma_wait3A_226 : memref<1x!tpu.dma_semaphore, #tpu.memory_space<semaphore_mem>> -> memref<!tpu.dma_semaphore, #tpu.memory_space<semaphore_mem>>
        %dma_wait3A_228 = arith.constant 0 : i32
        %dma_wait3A_229 = tpu.memref_slice %arg5[%add3A_222, %dma_wait3A_228] : memref<32768x2048xf32, #tpu.memory_space<hbm>> -> memref<8x2048xf32, #tpu.memory_space<hbm>>
        tpu.wait_dma2 semaphore(%dma_wait3A_227 : memref<!tpu.dma_semaphore, #tpu.memory_space<semaphore_mem>>) src(%arg13 : memref<8x2048xf32, #tpu.memory_space<vmem>>) dst(%dma_wait3A_229 : memref<8x2048xf32, #tpu.memory_space<hbm>>)
      } else {
      }
      %mul3A_190 = arith.constant 8 : i32
      %mul3A_191 = arith.muli %add3A_184, %mul3A_190 : i32
      %dma_wait3A_192 = arith.constant 3 : i32
      %dma_wait3A_193 = tpu.memref_slice %arg7[%mul3A_191] : memref<1024xi32, #tpu.memory_space<vmem>> -> memref<8xi32, #tpu.memory_space<vmem>>
      %dma_wait3A_194 = arith.constant 0 : i32
      %dma_wait3A_195 = arith.constant 0 : i32
      %dma_wait3A_196 = tpu.memref_slice %arg2[%dma_wait3A_194, %dma_wait3A_195] : memref<32768x2048xf32, #tpu.memory_space<hbm>> -> memref<32768x2048xf32, #tpu.memory_space<hbm>>
      %dma_wait3A_197 = tpu.memref_slice %arg14[%dma_wait3A_192] : memref<4x!tpu.dma_semaphore, #tpu.memory_space<semaphore_mem>> -> memref<1x!tpu.dma_semaphore, #tpu.memory_space<semaphore_mem>>
      %dma_wait3A_198 = tpu.memref_squeeze %dma_wait3A_197 : memref<1x!tpu.dma_semaphore, #tpu.memory_space<semaphore_mem>> -> memref<!tpu.dma_semaphore, #tpu.memory_space<semaphore_mem>>
      tpu.wait_indirect_dma semaphore(%dma_wait3A_198 : memref<!tpu.dma_semaphore, #tpu.memory_space<semaphore_mem>>) src(%dma_wait3A_196 : memref<32768x2048xf32, #tpu.memory_space<hbm>>) dst(%arg11 : memref<8x2048xf32, #tpu.memory_space<vmem>>)
      %parallel_loop3A_199 = arith.constant 0 : i32
      %parallel_loop3A_200 = arith.constant 128 : i32
      %parallel_loop3A_201 = arith.constant 1 : i32
      scf.for %parallel_loop3A_219 = %parallel_loop3A_199 to %parallel_loop3A_200 step %parallel_loop3A_201  : i32 {
        %parallel_loop3A_220 = arith.constant 16 : i32
        %parallel_loop3A_221 = arith.muli %parallel_loop3A_219, %parallel_loop3A_220 : i32
        %parallel_loop3A_222 = arith.index_cast %parallel_loop3A_221 : i32 to index
        %parallel_loop3A_223 = tpu.vector_load %arg6[%parallel_loop3A_222] {strides = array<i32>} : memref<2048xi32, #tpu.memory_space<vmem>>, vector<16xi32>,
        %parallel_loop3A_224 = tpu.vector_load_idx %arg11[%broadcast_in_dim3A_3, %parallel_loop3A_223] : memref<8x2048xf32, #tpu.memory_space<vmem>>[vector<16xi32>, vector<16xi32>], vector<16xf32>,
        %parallel_loop3A_225 = arith.constant 16 : i32
        %parallel_loop3A_226 = arith.muli %parallel_loop3A_219, %parallel_loop3A_225 : i32
        %parallel_loop3A_227 = arith.constant 0 : i32
        %parallel_loop3A_228 = arith.index_cast %parallel_loop3A_227 : i32 to index
        %parallel_loop3A_229 = arith.index_cast %parallel_loop3A_226 : i32 to index
        %parallel_loop3A_230 = tpu.vector_load %arg13[%parallel_loop3A_228, %parallel_loop3A_229] {strides = array<i32>} : memref<8x2048xf32, #tpu.memory_space<vmem>>, vector<16xf32>,
        tpu.vector_store %arg13[%parallel_loop3A_228, %parallel_loop3A_229], %parallel_loop3A_224 {strides = array<i32>} : memref<8x2048xf32, #tpu.memory_space<vmem>>, vector<16xf32>,
        %parallel_loop3A_231 = tpu.vector_load_idx %arg11[%broadcast_in_dim3A_5, %parallel_loop3A_223] : memref<8x2048xf32, #tpu.memory_space<vmem>>[vector<16xi32>, vector<16xi32>], vector<16xf32>,
        %parallel_loop3A_232 = arith.constant 16 : i32
        %parallel_loop3A_233 = arith.muli %parallel_loop3A_219, %parallel_loop3A_232 : i32
        %parallel_loop3A_234 = arith.constant 1 : i32
        %parallel_loop3A_235 = arith.index_cast %parallel_loop3A_234 : i32 to index
        %parallel_loop3A_236 = arith.index_cast %parallel_loop3A_233 : i32 to index
        %parallel_loop3A_237 = tpu.vector_load %arg13[%parallel_loop3A_235, %parallel_loop3A_236] {strides = array<i32>} : memref<8x2048xf32, #tpu.memory_space<vmem>>, vector<16xf32>,
        tpu.vector_store %arg13[%parallel_loop3A_235, %parallel_loop3A_236], %parallel_loop3A_231 {strides = array<i32>} : memref<8x2048xf32, #tpu.memory_space<vmem>>, vector<16xf32>,
        %parallel_loop3A_238 = tpu.vector_load_idx %arg11[%broadcast_in_dim3A_7, %parallel_loop3A_223] : memref<8x2048xf32, #tpu.memory_space<vmem>>[vector<16xi32>, vector<16xi32>], vector<16xf32>,
        %parallel_loop3A_239 = arith.constant 16 : i32
        %parallel_loop3A_240 = arith.muli %parallel_loop3A_219, %parallel_loop3A_239 : i32
        %parallel_loop3A_241 = arith.constant 2 : i32
        %parallel_loop3A_242 = arith.index_cast %parallel_loop3A_241 : i32 to index
        %parallel_loop3A_243 = arith.index_cast %parallel_loop3A_240 : i32 to index
        %parallel_loop3A_244 = tpu.vector_load %arg13[%parallel_loop3A_242, %parallel_loop3A_243] {strides = array<i32>} : memref<8x2048xf32, #tpu.memory_space<vmem>>, vector<16xf32>,
        tpu.vector_store %arg13[%parallel_loop3A_242, %parallel_loop3A_243], %parallel_loop3A_238 {strides = array<i32>} : memref<8x2048xf32, #tpu.memory_space<vmem>>, vector<16xf32>,
        %parallel_loop3A_245 = tpu.vector_load_idx %arg11[%broadcast_in_dim3A_9, %parallel_loop3A_223] : memref<8x2048xf32, #tpu.memory_space<vmem>>[vector<16xi32>, vector<16xi32>], vector<16xf32>,
        %parallel_loop3A_246 = arith.constant 16 : i32
        %parallel_loop3A_247 = arith.muli %parallel_loop3A_219, %parallel_loop3A_246 : i32
        %parallel_loop3A_248 = arith.constant 3 : i32
        %parallel_loop3A_249 = arith.index_cast %parallel_loop3A_248 : i32 to index
        %parallel_loop3A_250 = arith.index_cast %parallel_loop3A_247 : i32 to index
        %parallel_loop3A_251 = tpu.vector_load %arg13[%parallel_loop3A_249, %parallel_loop3A_250] {strides = array<i32>} : memref<8x2048xf32, #tpu.memory_space<vmem>>, vector<16xf32>,
        tpu.vector_store %arg13[%parallel_loop3A_249, %parallel_loop3A_250], %parallel_loop3A_245 {strides = array<i32>} : memref<8x2048xf32, #tpu.memory_space<vmem>>, vector<16xf32>,
        %parallel_loop3A_252 = tpu.vector_load_idx %arg11[%broadcast_in_dim3A_11, %parallel_loop3A_223] : memref<8x2048xf32, #tpu.memory_space<vmem>>[vector<16xi32>, vector<16xi32>], vector<16xf32>,
        %parallel_loop3A_253 = arith.constant 16 : i32
        %parallel_loop3A_254 = arith.muli %parallel_loop3A_219, %parallel_loop3A_253 : i32
        %parallel_loop3A_255 = arith.constant 4 : i32
        %parallel_loop3A_256 = arith.index_cast %parallel_loop3A_255 : i32 to index
        %parallel_loop3A_257 = arith.index_cast %parallel_loop3A_254 : i32 to index
        %parallel_loop3A_258 = tpu.vector_load %arg13[%parallel_loop3A_256, %parallel_loop3A_257] {strides = array<i32>} : memref<8x2048xf32, #tpu.memory_space<vmem>>, vector<16xf32>,
        tpu.vector_store %arg13[%parallel_loop3A_256, %parallel_loop3A_257], %parallel_loop3A_252 {strides = array<i32>} : memref<8x2048xf32, #tpu.memory_space<vmem>>, vector<16xf32>,
        %parallel_loop3A_259 = tpu.vector_load_idx %arg11[%broadcast_in_dim3A_13, %parallel_loop3A_223] : memref<8x2048xf32, #tpu.memory_space<vmem>>[vector<16xi32>, vector<16xi32>], vector<16xf32>,
        %parallel_loop3A_260 = arith.constant 16 : i32
        %parallel_loop3A_261 = arith.muli %parallel_loop3A_219, %parallel_loop3A_260 : i32
        %parallel_loop3A_262 = arith.constant 5 : i32
        %parallel_loop3A_263 = arith.index_cast %parallel_loop3A_262 : i32 to index
        %parallel_loop3A_264 = arith.index_cast %parallel_loop3A_261 : i32 to index
        %parallel_loop3A_265 = tpu.vector_load %arg13[%parallel_loop3A_263, %parallel_loop3A_264] {strides = array<i32>} : memref<8x2048xf32, #tpu.memory_space<vmem>>, vector<16xf32>,
        tpu.vector_store %arg13[%parallel_loop3A_263, %parallel_loop3A_264], %parallel_loop3A_259 {strides = array<i32>} : memref<8x2048xf32, #tpu.memory_space<vmem>>, vector<16xf32>,
        %parallel_loop3A_266 = tpu.vector_load_idx %arg11[%broadcast_in_dim3A_15, %parallel_loop3A_223] : memref<8x2048xf32, #tpu.memory_space<vmem>>[vector<16xi32>, vector<16xi32>], vector<16xf32>,
        %parallel_loop3A_267 = arith.constant 16 : i32
        %parallel_loop3A_268 = arith.muli %parallel_loop3A_219, %parallel_loop3A_267 : i32
        %parallel_loop3A_269 = arith.constant 6 : i32
        %parallel_loop3A_270 = arith.index_cast %parallel_loop3A_269 : i32 to index
        %parallel_loop3A_271 = arith.index_cast %parallel_loop3A_268 : i32 to index
        %parallel_loop3A_272 = tpu.vector_load %arg13[%parallel_loop3A_270, %parallel_loop3A_271] {strides = array<i32>} : memref<8x2048xf32, #tpu.memory_space<vmem>>, vector<16xf32>,
        tpu.vector_store %arg13[%parallel_loop3A_270, %parallel_loop3A_271], %parallel_loop3A_266 {strides = array<i32>} : memref<8x2048xf32, #tpu.memory_space<vmem>>, vector<16xf32>,
        %parallel_loop3A_273 = tpu.vector_load_idx %arg11[%broadcast_in_dim3A_17, %parallel_loop3A_223] : memref<8x2048xf32, #tpu.memory_space<vmem>>[vector<16xi32>, vector<16xi32>], vector<16xf32>,
        %parallel_loop3A_274 = arith.constant 16 : i32
        %parallel_loop3A_275 = arith.muli %parallel_loop3A_219, %parallel_loop3A_274 : i32
        %parallel_loop3A_276 = arith.constant 7 : i32
        %parallel_loop3A_277 = arith.index_cast %parallel_loop3A_276 : i32 to index
        %parallel_loop3A_278 = arith.index_cast %parallel_loop3A_275 : i32 to index
        %parallel_loop3A_279 = tpu.vector_load %arg13[%parallel_loop3A_277, %parallel_loop3A_278] {strides = array<i32>} : memref<8x2048xf32, #tpu.memory_space<vmem>>, vector<16xf32>,
        tpu.vector_store %arg13[%parallel_loop3A_277, %parallel_loop3A_278], %parallel_loop3A_273 {strides = array<i32>} : memref<8x2048xf32, #tpu.memory_space<vmem>>, vector<16xf32>,
      } {sc.loop_unroll_factor = 4 : i64, sc.parallel_access}
      %mul3A_202 = arith.constant 8 : i32
      %mul3A_203 = arith.muli %add3A_184, %mul3A_202 : i32
      %add3A_204 = arith.addi %mul3A_2, %mul3A_203 : i32
      %dma_start3A_205 = arith.constant 1 : i32
      %dma_start3A_206 = arith.constant 0 : i32
      %dma_start3A_207 = tpu.memref_slice %arg5[%add3A_204, %dma_start3A_206] : memref<32768x2048xf32, #tpu.memory_space<hbm>> -> memref<8x2048xf32, #tpu.memory_space<hbm>>
      %dma_start3A_208 = tpu.memref_slice %arg15[%dma_start3A_205] : memref<2x!tpu.dma_semaphore, #tpu.memory_space<semaphore_mem>> -> memref<1x!tpu.dma_semaphore, #tpu.memory_space<semaphore_mem>>
      %dma_start3A_209 = tpu.memref_squeeze %dma_start3A_208 : memref<1x!tpu.dma_semaphore, #tpu.memory_space<semaphore_mem>> -> memref<!tpu.dma_semaphore, #tpu.memory_space<semaphore_mem>>
      %dma_start3A_210 = arith.constant 0 : i32
      %dma_start3A_211 = tpu.memref_slice %arg5[%add3A_204, %dma_start3A_210] : memref<32768x2048xf32, #tpu.memory_space<hbm>> -> memref<8x2048xf32, #tpu.memory_space<hbm>>
      tpu.enqueue_dma source(%arg13 : memref<8x2048xf32, #tpu.memory_space<vmem>>) target(%dma_start3A_211 : memref<8x2048xf32, #tpu.memory_space<hbm>>) target_semaphore(%dma_start3A_209 : memref<!tpu.dma_semaphore, #tpu.memory_space<semaphore_mem>>)
      %add3A_212 = arith.constant 4 : i32
      %add3A_213 = arith.addi %add3A_184, %add3A_212 : i32
      %lt3A_214 = arith.constant 128 : i32
      %lt3A_215 = arith.cmpi slt, %add3A_213, %lt3A_214 : i32
      %convert_element_type3A_216 = arith.extui %lt3A_215 : i1 to i32
      %cond3A_217 = arith.constant 0 : i32
      %cond3A_218 = arith.cmpi ne, %convert_element_type3A_216, %cond3A_217 : i32
      scf.if %cond3A_218 {
        %add3A_219 = arith.constant 4 : i32
        %add3A_220 = arith.addi %add3A_184, %add3A_219 : i32
        %mul3A_221 = arith.constant 8 : i32
        %mul3A_222 = arith.muli %add3A_220, %mul3A_221 : i32
        %dma_start3A_223 = arith.constant 3 : i32
        %dma_start3A_224 = tpu.memref_slice %arg7[%mul3A_222] : memref<1024xi32, #tpu.memory_space<vmem>> -> memref<8xi32, #tpu.memory_space<vmem>>
        %dma_start3A_225 = arith.constant 0 : i32
        %dma_start3A_226 = arith.constant 0 : i32
        %dma_start3A_227 = tpu.memref_slice %arg2[%dma_start3A_225, %dma_start3A_226] : memref<32768x2048xf32, #tpu.memory_space<hbm>> -> memref<32768x2048xf32, #tpu.memory_space<hbm>>
        %dma_start3A_228 = tpu.memref_slice %arg14[%dma_start3A_223] : memref<4x!tpu.dma_semaphore, #tpu.memory_space<semaphore_mem>> -> memref<1x!tpu.dma_semaphore, #tpu.memory_space<semaphore_mem>>
        %dma_start3A_229 = tpu.memref_squeeze %dma_start3A_228 : memref<1x!tpu.dma_semaphore, #tpu.memory_space<semaphore_mem>> -> memref<!tpu.dma_semaphore, #tpu.memory_space<semaphore_mem>>
        tpu.enqueue_indirect_dma source(%dma_start3A_227 : memref<32768x2048xf32, #tpu.memory_space<hbm>>) target(%arg11 : memref<8x2048xf32, #tpu.memory_space<vmem>>) offsets(%dma_start3A_224 : memref<8xi32, #tpu.memory_space<vmem>>) semaphore(%dma_start3A_229 : memref<!tpu.dma_semaphore, #tpu.memory_space<semaphore_mem>>)
      } else {
      }
    }
    %scan3A_53 = arith.constant 32 : i32
    %add3A_54 = arith.constant 1008 : i32
    %add3A_55 = arith.addi %mul3A_2, %add3A_54 : i32
    %dma_wait3A = arith.constant 0 : i32
    %dma_wait3A_56 = arith.constant 0 : i32
    %dma_wait3A_57 = tpu.memref_slice %arg5[%add3A_55, %dma_wait3A_56] : memref<32768x2048xf32, #tpu.memory_space<hbm>> -> memref<8x2048xf32, #tpu.memory_space<hbm>>
    %dma_wait3A_58 = tpu.memref_slice %arg15[%dma_wait3A] : memref<2x!tpu.dma_semaphore, #tpu.memory_space<semaphore_mem>> -> memref<1x!tpu.dma_semaphore, #tpu.memory_space<semaphore_mem>>
    %dma_wait3A_59 = tpu.memref_squeeze %dma_wait3A_58 : memref<1x!tpu.dma_semaphore, #tpu.memory_space<semaphore_mem>> -> memref<!tpu.dma_semaphore, #tpu.memory_space<semaphore_mem>>
    %dma_wait3A_60 = arith.constant 0 : i32
    %dma_wait3A_61 = tpu.memref_slice %arg5[%add3A_55, %dma_wait3A_60] : memref<32768x2048xf32, #tpu.memory_space<hbm>> -> memref<8x2048xf32, #tpu.memory_space<hbm>>
    tpu.wait_dma2 semaphore(%dma_wait3A_59 : memref<!tpu.dma_semaphore, #tpu.memory_space<semaphore_mem>>) src(%arg12 : memref<8x2048xf32, #tpu.memory_space<vmem>>) dst(%dma_wait3A_61 : memref<8x2048xf32, #tpu.memory_space<hbm>>)
    %add3A_62 = arith.constant 1016 : i32
    %add3A_63 = arith.addi %mul3A_2, %add3A_62 : i32
    %dma_wait3A_64 = arith.constant 1 : i32
    %dma_wait3A_65 = arith.constant 0 : i32
    %dma_wait3A_66 = tpu.memref_slice %arg5[%add3A_63, %dma_wait3A_65] : memref<32768x2048xf32, #tpu.memory_space<hbm>> -> memref<8x2048xf32, #tpu.memory_space<hbm>>
    %dma_wait3A_67 = tpu.memref_slice %arg15[%dma_wait3A_64] : memref<2x!tpu.dma_semaphore, #tpu.memory_space<semaphore_mem>> -> memref<1x!tpu.dma_semaphore, #tpu.memory_space<semaphore_mem>>
    %dma_wait3A_68 = tpu.memref_squeeze %dma_wait3A_67 : memref<1x!tpu.dma_semaphore, #tpu.memory_space<semaphore_mem>> -> memref<!tpu.dma_semaphore, #tpu.memory_space<semaphore_mem>>
    %dma_wait3A_69 = arith.constant 0 : i32
    %dma_wait3A_70 = tpu.memref_slice %arg5[%add3A_63, %dma_wait3A_69] : memref<32768x2048xf32, #tpu.memory_space<hbm>> -> memref<8x2048xf32, #tpu.memory_space<hbm>>
    tpu.wait_dma2 semaphore(%dma_wait3A_68 : memref<!tpu.dma_semaphore, #tpu.memory_space<semaphore_mem>>) src(%arg13 : memref<8x2048xf32, #tpu.memory_space<vmem>>) dst(%dma_wait3A_70 : memref<8x2048xf32, #tpu.memory_space<hbm>>)
    return
  }
}

</mosaic_0001>

<sc_bundles>
// kernel: kernel.3.cloned.1.call-start
scs
__scs_entry_jumppad:
0x0: {  	(pc) =	sbr.rel $0x88, $3  }
0x1: {  	(tag) =	ssettag $0x0;
	lr =	simm.s32 $0x1  }
0x2: {  	[smem:$0x3F9E] =	sst lr;
	_ =	strace $0xD0000000  }
0x3: {  	_ = 	snop  }
0x4: {  	_ = 	snop  }
0x5: {  	_ = 	snop  }
0x6: {  	_ = 	snop  }
0x7: {  	_ = 	snop  }
__scs_overlays_trampoline_lowered:
0x8: {  	[smem:$0x3FAD] =	sst s0  }
0x9: {  	[smem:$0x3FAE] =	sst s1  }
0xa: {  	[smem:$0x3FAF] =	sst s2  }
0xb: {  	[smem:$0x3FB0] =	sst s3  }
0xc: {  	[smem:$0x3FB1] =	sst s4  }
0xd: {  	[smem:$0x3FB2] =	sst s5  }
0xe: {  	[smem:$0x3FB3] =	sst s6  }
0xf: {  	[smem:$0x3FB4] =	sst s7  }
0x10: {  	[smem:$0x3FB5] =	sst s8  }
0x11: {  	[smem:$0x3FB6] =	sst s9;
	s0 =	simm.s32 @!p0 $0x0  }
0x12: {  	s1 =	sld [smem:$0x3F9C];
	s0 =	simm.s32 @p0 $0x1  }
0x13: {  	[smem:$0x3FB7] =	sst s0;
	s0 =	simm.s32 @!p1 $0x0  }
0x14: {  	s2 =	sld [smem:$0x3F9B];
	s0 =	simm.s32 @p1 $0x1  }
0x15: {  	[smem:$0x3FB8] =	sst s0;
	s0 =	simm.s32 @!p2 $0x0  }
0x16: {  	s3 =	sld [smem:$0x3FDB];
	s0 =	simm.s32 @p2 $0x1  }
0x17: {  	s4 =	simm.s32 $0x1BF5;
	[smem:$0x3FBA] =	sst s0  }
0x18: {  	s0 =	sld [smem:$0x3F9D];
	_ =	swait.ge [sflag:s4], $0x0  }
0x19: {  	s7 =	sld [smem:$0x3F9E]  }
0x1a: {  	s8 =	sadd.s32 $0xFFFFE003, lr  }
0x1b: {  	s9 =	sadd.s32 $0xFFFFFEF7, lr;
	s5 =	simm.s32 $0xFFFFFFFF;
	p2 =	slt.u32 s8, $0xFFFFF086  }
0x1c: {  	p1 =	slt.u32 s9, $0xF7A;
	s5 =	simm.s32 @!p2 $0x0  }
0x1d: {  	s5 =	simm.s32 @p1 $0x1;
	p0 =	seq.s32 s7, s2  }
0x1e: {  	s7 =	smul.u32 @!p0 $0xF7A, s2;
	p2 =	seq.s32 @!p0 s5, $0x0  }
0x1f: {  	s9 =	smul.u32 $0xF7A, s1;
	s8 =	simm.s32 @!p0 $0x1BF5;
	p2 =	por !p2, p0  }
0x20: {  	[sflag:s8] =	ssyncset.s32 @!p0 $0xFFFFF086;
	s6 =	sadd.s32 @!p0 s3, s7;
	s7 =	simm.s32 @!p0 $0x108  }
0x21: {  	s3 =	sadd.s32 s3, s9;
	s6 =	sadd.s32 @!p0 $0x88, s6;
	s7 =	simm.s32 @p2 $0x1082  }
0x22: {  	[simem:s7], [sflag:s8] =	dma.local @!p0 [hbm:s6], $0xF7A  }
0x23: {  	s9 =	sor.u32 $0xD0000000, s2;
	s6 =	simm.s32 $0x108;
	_ =	swait.ge @!p0 [sflag:s8], $0x0  }
0x24: {  	s3 =	sadd.s32 $0x88, s3;
	s6 =	simm.s32 @!p1 $0x1082;
	[sflag:s4] =	ssyncset.s32 $0xFFFFF086  }
0x25: {  	[simem:s6], [sflag:s4] =	dma.local [hbm:s3], $0xF7A  }
0x26: {  	[smem:$0x3F9E] =	sst s1;
	(tag) =	ssettag s2;
	_ =	strace s9  }
0x27: {  	s1 =	sld [smem:$0x3FAE]  }
0x28: {  	s2 =	sld [smem:$0x3FAF]  }
0x29: {  	s4 =	sld [smem:$0x3FB1]  }
0x2a: {  	p0 =	seq.s32 s5, $0x0;
	s5 =	sld [smem:$0x3FB2]  }
0x2b: {  	s6 =	sld [smem:$0x3FB3]  }
0x2c: {  	s7 =	sld [smem:$0x3FB4]  }
0x2d: {  	s3 =	simm.s32 $0x108;
	s8 =	sld [smem:$0x3FB5]  }
0x2e: {  	s3 =	simm.s32 @!p0 $0x1082;
	s9 =	sld [smem:$0x3FB6]  }
0x2f: {  	lr =	sadd.s32 s0, s3;
	s0 =	sld [smem:$0x3FAD]  }
0x30: {  	s3 =	sld [smem:$0x3FB0]  }
0x31: {  	[smem:$0x3FB9] =	sst s10  }
0x32: {  	s10 =	sld [smem:$0x3FB7];
	_ =	sdelay $0x3  }
0x33: {  	p0 =	seq.s32 s10, $0x1;
	s10 =	sld [smem:$0x3FB9];
	_ =	sdelay $0x3  }
0x34: {  	[smem:$0x3FB9] =	sst s10  }
0x35: {  	s10 =	sld [smem:$0x3FB8];
	_ =	sdelay $0x3  }
0x36: {  	p1 =	seq.s32 s10, $0x1;
	s10 =	sld [smem:$0x3FB9];
	_ =	sdelay $0x3  }
0x37: {  	[smem:$0x3FB9] =	sst s10  }
0x38: {  	s10 =	sld [smem:$0x3FBA]  }
0x39: {  	_ = 	snop;
	(pc) =	sbr.ind lr, $3  }
0x3a: {  	_ = 	snop  }
0x3b: {  	_ = 	snop  }
0x3c: {  	p2 =	seq.s32 s10, $0x1;
	s10 =	sld [smem:$0x3FB9]  }
0x3d: {  	_ =	shalt  }
0x3e: {  	_ =	shalt  }
0x3f: {  	_ =	shalt  }
0x40: {  	_ =	shalt  }
0x41: {  	_ =	shalt  }
0x42: {  	_ =	shalt  }
0x43: {  	_ =	shalt  }
0x44: {  	_ =	shalt  }
0x45: {  	_ =	shalt  }
0x46: {  	_ =	shalt  }
0x47: {  	_ =	shalt  }
0x48: {  	_ =	shalt  }
0x49: {  	_ =	shalt  }
0x4a: {  	_ =	shalt  }
0x4b: {  	_ =	shalt  }
0x4c: {  	_ =	shalt  }
0x4d: {  	_ =	shalt  }
0x4e: {  	_ =	shalt  }
0x4f: {  	_ =	shalt  }
0x50: {  	_ =	shalt  }
0x51: {  	_ =	shalt  }
0x52: {  	_ =	shalt  }
0x53: {  	_ =	shalt  }
0x54: {  	_ =	shalt  }
0x55: {  	_ =	shalt  }
0x56: {  	_ =	shalt  }
0x57: {  	_ =	shalt  }
0x58: {  	_ =	shalt  }
0x59: {  	_ =	shalt  }
0x5a: {  	_ =	shalt  }
0x5b: {  	_ =	shalt  }
0x5c: {  	_ =	shalt  }
0x5d: {  	_ =	shalt  }
0x5e: {  	_ =	shalt  }
0x5f: {  	_ =	shalt  }
0x60: {  	_ =	shalt  }
0x61: {  	_ =	shalt  }
0x62: {  	_ =	shalt  }
0x63: {  	_ =	shalt  }
0x64: {  	_ =	shalt  }
0x65: {  	_ =	shalt  }
0x66: {  	_ =	shalt  }
0x67: {  	_ =	shalt  }
0x68: {  	_ =	shalt  }
0x69: {  	_ =	shalt  }
0x6a: {  	_ =	shalt  }
0x6b: {  	_ =	shalt  }
0x6c: {  	_ =	shalt  }
0x6d: {  	_ =	shalt  }
0x6e: {  	_ =	shalt  }
0x6f: {  	_ =	shalt  }
0x70: {  	_ =	shalt  }
0x71: {  	_ =	shalt  }
0x72: {  	_ =	shalt  }
0x73: {  	_ =	shalt  }
0x74: {  	_ =	shalt  }
0x75: {  	_ =	shalt  }
0x76: {  	_ =	shalt  }
0x77: {  	_ =	shalt  }
0x78: {  	_ =	shalt  }
0x79: {  	_ =	shalt  }
0x7a: {  	_ =	shalt  }
0x7b: {  	_ =	shalt  }
0x7c: {  	_ =	shalt  }
0x7d: {  	_ =	shalt  }
0x7e: {  	_ =	shalt  }
0x7f: {  	_ =	shalt  }
0x80: {  	_ =	shalt  }
0x81: {  	_ =	shalt  }
0x82: {  	_ =	shalt  }
0x83: {  	_ =	shalt  }
0x84: {  	_ =	shalt  }
0x85: {  	_ =	shalt  }
0x86: {  	_ =	shalt  }
0x87: {  	_ =	shalt  }
.Lfunc_end0:
.L_simem_size_0:
called_computation_lowered:
.L_overlay_start_0:
0x88: {  	s2 =	sld [smem:$0x3FD9]  }
0x89: {  	s3 =	sld [smem:$0x3FFE];
	_ =	sdelay $0x1  }
0x8a: {  	s1 =	srdreg.scid  }
0x8b: {  	s0 =	sand.u32 $0x1, s1  }
0x8c: {  	s17 =	sshll.u32 s0, $0xA;
	s2 =	sadd.s32 s3, s2  }
0x8d: {  	s2 =	sadd.s32 s2, s17  }
0x8e: {  	[smem:$0x3FC5] =	sst s2  }
0x8f: {  	_ = 	snop  }
0x90: {  	s2 =	sld [smem:$0x3FC9]  }
0x91: {  	s18 =	sld [smem:$0x3FC7]  }
0x92: {  	s4 =	sld [smem:$0x3FD0];
	(tm) =	ssettm $0x1  }
0x93: {  	s5 =	sld [smem:$0x3FFB];
	_ =	sdelay $0x3  }
0x94: {  	_ =	strace s5  }
0x95: {  	s5 =	sld [smem:$0x3FFC];
	_ =	sdelay $0x3  }
0x96: {  	_ =	strace s5  }
0x97: {  	s5 =	sld [smem:$0x3FFD];
	_ =	sdelay $0x3  }
0x98: {  	_ =	strace s5  }
0x99: {  	_ =	strace $0x8FFFFFFF  }
0x9a: {  	s19 =	sld [smem:$0x3FDB];
	_ =	sdelay $0x1  }
0x9b: {  	s6 =	simm.s32 $_scs_section_size  }
0x9c: {  	s7 =	simm.s32 $_size__tile_overlayer_lowered;
	s8 =	simm.s32 $_tile_overlayer_lowered  }
0x9d: {  	s22 =	simm.s32 $0x1BFF;
	s21 =	sshll.u32 s8, $0x1;
	s5 =	sadd.s32 s6, s19  }
0x9e: {  	s9 =	simm.s32 $0x0;
	s20 =	sshll.u32 s7, $0x1;
	s7 =	sadd.s32 s21, s5  }
0x9f: {  	[timem:s9], [sflag:s22] =	dma.local [hbm:s7], s20  }
0xa0: {  	_ =	swait.ge [sflag:s22], s20  }
0xa1: {  	s6 =	ssub.s32 $0x0, s20;
	[sflag:s22] =	ssyncset.done $0x0  }
0xa2: {  	[sflag:s22] =	ssyncadd.s32 s6;
	_ =	sdelay $0x1  }
0xa3: {  	s23 =	simm.s32 $0x1B8B  }
0xa4: {  	_ =	swait.ge [sflag:s23], $0x1  }
0xa5: {  	[sflag:s23] =	ssyncset.done $0x0  }
0xa6: {  	s25 =	simm.s32 $0x1B8E;
	s24 =	sld [smem:$0x3FFE];
	[sflag:s23] =	ssyncadd.s32 $0xFFFFFFFF  }
0xa7: {  	s26 =	simm.s32 $execute0_lowered;
	[smem:$0x3FD2] =	sst s25  }
0xa8: {  	s7 =	sshll.u32 s26, $0x1;
	_ =	strace $0x80000046;
	[dreg:$0x1] =	wrdreg $0xFFFFFFFF  }
0xa9: {  	s28 =	simm.s32 $_size_execute0_lowered;
	s5 =	sadd.s32 s5, s7;
	[dreg:$0x0] =	wrdreg $0x0  }
0xaa: {  	s7 =	sshll.u32 s28, $0x1;
	[dreg:$0x2] =	wrdreg s5  }
0xab: {  	[dreg:$0x3] =	wrdreg s7  }
0xac: {  	[dreg:$0x4] =	wrdreg $0xC0  }
0xad: {  	_ =	task [dreg:s9], $0x5FFFF  }
0xae: {  	[dreg:$0x1] =	wrdreg $0xFFFFFFFF  }
0xaf: {  	[dreg:$0x0] =	wrdreg $0x60  }
0xb0: {  	[dreg:$0x2] =	wrdreg s2  }
0xb1: {  	[dreg:$0x3] =	wrdreg s24  }
0xb2: {  	[dreg:$0x4] =	wrdreg s18  }
0xb3: {  	[dreg:$0x5] =	wrdreg s4  }
0xb4: {  	[dreg:$0x6] =	wrdreg $0x9  }
0xb5: {  	_ =	task.clear_ibuf [dreg:s9], $0x7FFFF;
	_ =	strace $0x90000046  }
0xb6: {  	s29 =	simm.s32 $0x9;
	_ =	strace $0x80000048  }
0xb7: {  	_ =	swait.ge [sflag:s29], $0x1  }
0xb8: {  	[sflag:s29] =	ssyncadd.s32 $0xFFFFFFFF  }
0xb9: {  	_ =	strace $0x90000048  }
0xba: {  	_ =	sfence  }
0xbb: {  	s30 =	sld [smem:$0x0];
	_ =	sdelay $0x2  }
0xbc: {  	s31 =	sshll.u32 s1, $0xD;
	s1 =	sshrl.u32 s1, $0x2  }
0xbd: {  	s3 =	sand.u32 $0x4000, s31;
	s1 =	sadd.s32 s1, s30  }
0xbe: {  	s0 =	sor.u32 s3, s0;
	s1 =	sshll.u32 s1, $0x11  }
0xbf: {  	s0 =	sor.u32 s1, s0  }
0xc0: {  	s0 =	sadd.s32 $0x8F2B, s0  }
0xc1: {  	[sflag:s0] =	ssyncadd.remote.s32 $0x1  }
0xc2: {  	_ =	sfence.sel $0xFFFF  }
0xc3: {  	[dreg:$0x0] =	wrdreg $0xFFFFFFFF;
	(pc) =	sbr.abs _section_cstart, $3  }
0xc4: {  	[dreg:$0x1] =	wrdreg $0xFFFFFFFF  }
0xc5: {  	_ =	task.clear_ibuf [dreg:s9], $0x2FFFF;
	_ =	strace $0x9FFFFFFF  }
0xc6: {  	(tm) =	ssettm $0x7FFFFFFF  }
0xc7: {  	_ =	shalt  }
tec
execute0_lowered:
.L_overlay_start_1:
0x0: {  	(tag) =	ssettag $0x1  }
0x1: {  	s14 =	rddreg [dreg:$0x0]  }
0x2: {  	s0 =	rddreg [dreg:$0x1];
	s1 =	srdreg.scid  }
0x3: {  	s4 =	rddreg [dreg:$0x3];
	s2 =	stileid.u32;
	s5 =	simm.s32 $0x0  }
0x4: {  	s28 =	simm.s32 $0x4C00;
	[smem:$0x7FF] =	sst s5;
	s20 =	sadd.s32 $0x200, s14  }
0x5: {  	s21 =	sadd.s32 $0x300, s14;
	_ =	strace $0x80000047;
	[dreg:$0x8] =	wrdreg s20  }
0x6: {  	s30 =	simm.s32 $0xCC00;
	s22 =	sadd.s32 $0x400, s14;
	[dreg:$0x9] =	wrdreg s21  }
0x7: {  	s1 =	sand.u32 $0x1, s1;
	s23 =	sadd.s32 $0x500, s14;
	[dreg:$0xa] =	wrdreg s22  }
0x8: {  	s2 =	sshll.u32 s2, $0xB;
	s24 =	sadd.s32 $0x600, s14;
	[dreg:$0xb] =	wrdreg s23  }
0x9: {  	s31 =	sadd.s32 $0x100, s14;
	s25 =	sadd.s32 $0x700, s14;
	[dreg:$0xc] =	wrdreg s24  }
0xa: {  	s3 =	sshll.u32 s1, $0xA;
	s1 =	ssub.s32 $0x2, s1;
	[dreg:$0xd] =	wrdreg s25  }
0xb: {  	[dreg:$0x7] =	wrdreg s31;
	s6 =	sor.u32 s3, s2;
	s19 =	sshrl.u32 s1, $0x1  }
.Ltmp0:
0xc: {  	s2 =	sshrl.u32 s6, $0x3;
	s1 =	ssub.s32 s1, s19;
	(pc) =	sbr.rel .LBB2_1-.Ltmp0, $4  }
0xd: {  	[dreg:$0x5] =	wrdreg s6;
	s0 =	sadd.s32 s2, s0;
	s29 =	smax.u32 s1, $0x1  }
0xe: {  	v0 =	vlaneseq.u32;
	s26 =	sshll.u32 s6, $0x8;
	s0 =	sadd.s32 $0x400, s0;
	[dreg:$0xf] =	wrdreg s29  }
0xf: {  	v1 =	vshrl.u32 v0, $0x3;
	s20 =	simm.s32 $0x8C00;
	[dreg:$0x6] =	wrdreg s0;
	s0 =	sadd.s32 s4, s26  }
0x10: {  	vm0 =	vmmov $0xffff;
	v0 =	vand.u32 $0x7, v0;
	v1 =	vmul.u32 $0x8, v1;
	s19 =	simm.s32 $0xC00;
	s2 =	simm.s32 $0x0;
	[dreg:$0xe] =	wrdreg s0  }
.LBB2_12:
0x11: {  	s0 =	simm.s32 $0x5  }
0x12: {  	_ =	swait.ge [sflag:s0], $0x4000  }
0x13: {  	[sflag:s0] =	ssyncset.done $0x0  }
0x14: {  	s1 =	simm.s32 $0x6;
	[sflag:s0] =	ssyncadd.s32 $0xFFFFC000  }
0x15: {  	_ =	swait.ge [sflag:s1], $0x4000  }
0x16: {  	s2 =	rddreg [dreg:$0x10]  }
0x17: {  	s29 =	rddreg [dreg:$0xf];
	s2 =	sadd.s32 $0x1, s2  }
0x18: {  	p0 =	sne.s32 s2, s29  }
.Ltmp1:
0x19: {  	_ = 	snop;
	(pc) =	sbr.rel @!p0 .LBB2_13-.Ltmp1, $4  }
0x1a: {  	_ = 	snop  }
0x1b: {  	[sflag:s1] =	ssyncset.done $0x0  }
0x1c: {  	[sflag:s1] =	ssyncadd.s32 $0xFFFFC000  }
0x1d: {  	s14 =	rddreg [dreg:$0x0]  }
.LBB2_1:
0x1e: {  	[dreg:$0x10] =	wrdreg s2  }
0x1f: {  	s0 =	rddreg [dreg:$0x2];
	s1 =	simm.s32 $0x7  }
0x20: {  	[tilespmem:s5], [sflag:$0x7] =	stream.linear.gather [hbm4b:s0+s5], $0x800, $0x38;
	[tilespmem:$0x18C00] =	vst v63  }
0x21: {  	_ =	swait.ge [sflag:s1], $0x800  }
0x22: {  	[sflag:s1] =	ssyncset.done $0x0  }
0x23: {  	s18 =	simm.s32 $0x800;
	s17 =	rddreg [dreg:$0x6];
	[sflag:s1] =	ssyncadd.s32 $0xFFFFF800  }
0x24: {  	[tilespmem:s18], [sflag:$0x7] =	stream.linear.gather [hbm4b:s17+s5], $0x400, $0x38;
	[tilespmem:$0x18C00] =	vst v63  }
0x25: {  	_ =	swait.ge [sflag:s1], $0x400  }
0x26: {  	[sflag:s1] =	ssyncset.done $0x0  }
0x27: {  	[sflag:s1] =	ssyncadd.s32 $0xFFFFFC00  }
0x28: {  	v2 =	vld.msk [tilespmem:$0x800], $0xff;
	_ =	sdelay $0x4  }
0x29: {  	v3 =	vshll.u32 v2, $0x4  }
0x2a: {  	v2 =	vand.u32 $0x7, v2;
	v3 =	vand.u32 $0xFFFFFF80, v3  }
0x2b: {  	v2 =	vor.u32 v2, v3  }
0x2c: {  	v2 =	vperm.xlane v2, v0;
	_ =	sdelay $0x1  }
0x2d: {  	v2 =	vadd.s32 v1, v2;
	_ =	sdelay $0x4  }
0x2e: {  	[tilespmem:s19], [sflag:$0x1] =	stream.indirect_vreg.gather [hbm4b:s14+s5], $0x80, v2, vm0, $0xb8;
	[tilespmem:$0x18C00] =	vst v63  }
0x2f: {  	s21 =	simm.s32 $0x1400  }
0x30: {  	[tilespmem:s21], [sflag:$0x1] =	stream.indirect_vreg.gather [hbm4b:s31+s5], $0x80, v2, vm0, $0xb8;
	[tilespmem:$0x18C00] =	vst v63  }
0x31: {  	s22 =	simm.s32 $0x1C00;
	s0 =	rddreg [dreg:$0x8]  }
0x32: {  	[tilespmem:s22], [sflag:$0x1] =	stream.indirect_vreg.gather [hbm4b:s0+s5], $0x80, v2, vm0, $0xb8;
	[tilespmem:$0x18C00] =	vst v63  }
0x33: {  	s23 =	simm.s32 $0x2400;
	s1 =	rddreg [dreg:$0x9]  }
0x34: {  	[tilespmem:s23], [sflag:$0x1] =	stream.indirect_vreg.gather [hbm4b:s1+s5], $0x80, v2, vm0, $0xb8;
	[tilespmem:$0x18C00] =	vst v63  }
0x35: {  	s3 =	simm.s32 $0x2C00;
	s2 =	rddreg [dreg:$0xa]  }
0x36: {  	[tilespmem:s3], [sflag:$0x1] =	stream.indirect_vreg.gather [hbm4b:s2+s5], $0x80, v2, vm0, $0xb8;
	[tilespmem:$0x18C00] =	vst v63  }
0x37: {  	s4 =	simm.s32 $0x3400;
	s3 =	rddreg [dreg:$0xb]  }
0x38: {  	[tilespmem:s4], [sflag:$0x1] =	stream.indirect_vreg.gather [hbm4b:s3+s5], $0x80, v2, vm0, $0xb8;
	[tilespmem:$0x18C00] =	vst v63  }
0x39: {  	s6 =	simm.s32 $0x3C00;
	s4 =	rddreg [dreg:$0xc]  }
0x3a: {  	[tilespmem:s6], [sflag:$0x1] =	stream.indirect_vreg.gather [hbm4b:s4+s5], $0x80, v2, vm0, $0xb8;
	[tilespmem:$0x18C00] =	vst v63  }
0x3b: {  	s7 =	simm.s32 $0x4400;
	s6 =	rddreg [dreg:$0xd]  }
0x3c: {  	[tilespmem:s7], [sflag:$0x1] =	stream.indirect_vreg.gather [hbm4b:s6+s5], $0x80, v2, vm0, $0xb8;
	[tilespmem:$0x18C00] =	vst v63  }
0x3d: {  	v2 =	vld.msk [tilespmem:$0x808], $0xff;
	_ =	sdelay $0x4  }
0x3e: {  	v3 =	vshll.u32 v2, $0x4  }
0x3f: {  	v2 =	vand.u32 $0x7, v2;
	v3 =	vand.u32 $0xFFFFFF80, v3  }
0x40: {  	v2 =	vor.u32 v2, v3  }
0x41: {  	v2 =	vperm.xlane v2, v0;
	_ =	sdelay $0x1  }
0x42: {  	v2 =	vadd.s32 v1, v2;
	_ =	sdelay $0x4  }
0x43: {  	[tilespmem:s28], [sflag:$0x2] =	stream.indirect_vreg.gather [hbm4b:s14+s5], $0x80, v2, vm0, $0xb8;
	[tilespmem:$0x18C00] =	vst v63  }
0x44: {  	s24 =	simm.s32 $0x5400  }
0x45: {  	[tilespmem:s24], [sflag:$0x2] =	stream.indirect_vreg.gather [hbm4b:s31+s5], $0x80, v2, vm0, $0xb8;
	[tilespmem:$0x18C00] =	vst v63  }
0x46: {  	s25 =	simm.s32 $0x5C00  }
0x47: {  	[tilespmem:s25], [sflag:$0x2] =	stream.indirect_vreg.gather [hbm4b:s0+s5], $0x80, v2, vm0, $0xb8;
	[tilespmem:$0x18C00] =	vst v63  }
0x48: {  	s26 =	simm.s32 $0x6400  }
0x49: {  	[tilespmem:s26], [sflag:$0x2] =	stream.indirect_vreg.gather [hbm4b:s1+s5], $0x80, v2, vm0, $0xb8;
	[tilespmem:$0x18C00] =	vst v63  }
0x4a: {  	s29 =	simm.s32 $0x6C00  }
0x4b: {  	[tilespmem:s29], [sflag:$0x2] =	stream.indirect_vreg.gather [hbm4b:s2+s5], $0x80, v2, vm0, $0xb8;
	[tilespmem:$0x18C00] =	vst v63  }
0x4c: {  	s8 =	simm.s32 $0x7400  }
0x4d: {  	[tilespmem:s8], [sflag:$0x2] =	stream.indirect_vreg.gather [hbm4b:s3+s5], $0x80, v2, vm0, $0xb8;
	[tilespmem:$0x18C00] =	vst v63  }
0x4e: {  	s9 =	simm.s32 $0x7C00  }
0x4f: {  	[tilespmem:s9], [sflag:$0x2] =	stream.indirect_vreg.gather [hbm4b:s4+s5], $0x80, v2, vm0, $0xb8;
	[tilespmem:$0x18C00] =	vst v63  }
0x50: {  	s10 =	simm.s32 $0x8400  }
0x51: {  	[tilespmem:s10], [sflag:$0x2] =	stream.indirect_vreg.gather [hbm4b:s6+s5], $0x80, v2, vm0, $0xb8;
	[tilespmem:$0x18C00] =	vst v63  }
0x52: {  	v2 =	vld.msk [tilespmem:$0x810], $0xff;
	_ =	sdelay $0x4  }
0x53: {  	v3 =	vshll.u32 v2, $0x4  }
0x54: {  	v2 =	vand.u32 $0x7, v2;
	v3 =	vand.u32 $0xFFFFFF80, v3  }
0x55: {  	v2 =	vor.u32 v2, v3  }
0x56: {  	v2 =	vperm.xlane v2, v0;
	_ =	sdelay $0x1  }
0x57: {  	v2 =	vadd.s32 v1, v2;
	_ =	sdelay $0x4  }
0x58: {  	[tilespmem:s20], [sflag:$0x3] =	stream.indirect_vreg.gather [hbm4b:s14+s5], $0x80, v2, vm0, $0xb8;
	[tilespmem:$0x18C00] =	vst v63  }
0x59: {  	s11 =	simm.s32 $0x9400  }
0x5a: {  	[tilespmem:s11], [sflag:$0x3] =	stream.indirect_vreg.gather [hbm4b:s31+s5], $0x80, v2, vm0, $0xb8;
	[tilespmem:$0x18C00] =	vst v63  }
0x5b: {  	s12 =	simm.s32 $0x9C00  }
0x5c: {  	[tilespmem:s12], [sflag:$0x3] =	stream.indirect_vreg.gather [hbm4b:s0+s5], $0x80, v2, vm0, $0xb8;
	[tilespmem:$0x18C00] =	vst v63  }
0x5d: {  	s13 =	simm.s32 $0xA400  }
0x5e: {  	[tilespmem:s13], [sflag:$0x3] =	stream.indirect_vreg.gather [hbm4b:s1+s5], $0x80, v2, vm0, $0xb8;
	[tilespmem:$0x18C00] =	vst v63  }
0x5f: {  	s15 =	simm.s32 $0xAC00  }
0x60: {  	[tilespmem:s15], [sflag:$0x3] =	stream.indirect_vreg.gather [hbm4b:s2+s5], $0x80, v2, vm0, $0xb8;
	[tilespmem:$0x18C00] =	vst v63  }
0x61: {  	s16 =	simm.s32 $0xB400  }
0x62: {  	[tilespmem:s16], [sflag:$0x3] =	stream.indirect_vreg.gather [hbm4b:s3+s5], $0x80, v2, vm0, $0xb8;
	[tilespmem:$0x18C00] =	vst v63  }
0x63: {  	s17 =	simm.s32 $0xBC00  }
0x64: {  	[tilespmem:s17], [sflag:$0x3] =	stream.indirect_vreg.gather [hbm4b:s4+s5], $0x80, v2, vm0, $0xb8;
	[tilespmem:$0x18C00] =	vst v63  }
0x65: {  	s18 =	simm.s32 $0xC400  }
0x66: {  	[tilespmem:s18], [sflag:$0x3] =	stream.indirect_vreg.gather [hbm4b:s6+s5], $0x80, v2, vm0, $0xb8;
	[tilespmem:$0x18C00] =	vst v63  }
0x67: {  	v2 =	vld.msk [tilespmem:$0x818], $0xff;
	_ =	sdelay $0x4  }
0x68: {  	v3 =	vshll.u32 v2, $0x4  }
0x69: {  	v2 =	vand.u32 $0x7, v2;
	v3 =	vand.u32 $0xFFFFFF80, v3  }
0x6a: {  	v2 =	vor.u32 v2, v3  }
0x6b: {  	v2 =	vperm.xlane v2, v0;
	_ =	sdelay $0x1  }
0x6c: {  	v2 =	vadd.s32 v1, v2;
	_ =	sdelay $0x4  }
0x6d: {  	[tilespmem:s30], [sflag:$0x4] =	stream.indirect_vreg.gather [hbm4b:s14+s5], $0x80, v2, vm0, $0xb8;
	[tilespmem:$0x18C00] =	vst v63  }
0x6e: {  	s21 =	simm.s32 $0xD400  }
0x6f: {  	[tilespmem:s21], [sflag:$0x4] =	stream.indirect_vreg.gather [hbm4b:s31+s5], $0x80, v2, vm0, $0xb8;
	[tilespmem:$0x18C00] =	vst v63  }
0x70: {  	s22 =	simm.s32 $0xDC00  }
0x71: {  	[tilespmem:s22], [sflag:$0x4] =	stream.indirect_vreg.gather [hbm4b:s0+s5], $0x80, v2, vm0, $0xb8;
	[tilespmem:$0x18C00] =	vst v63  }
0x72: {  	s23 =	simm.s32 $0xE400  }
0x73: {  	[tilespmem:s23], [sflag:$0x4] =	stream.indirect_vreg.gather [hbm4b:s1+s5], $0x80, v2, vm0, $0xb8;
	[tilespmem:$0x18C00] =	vst v63  }
0x74: {  	s24 =	simm.s32 $0xEC00  }
0x75: {  	[tilespmem:s24], [sflag:$0x4] =	stream.indirect_vreg.gather [hbm4b:s2+s5], $0x80, v2, vm0, $0xb8;
	[tilespmem:$0x18C00] =	vst v63  }
0x76: {  	s25 =	simm.s32 $0xF400  }
0x77: {  	[tilespmem:s25], [sflag:$0x4] =	stream.indirect_vreg.gather [hbm4b:s3+s5], $0x80, v2, vm0, $0xb8;
	[tilespmem:$0x18C00] =	vst v63  }
0x78: {  	s26 =	simm.s32 $0xFC00  }
0x79: {  	[tilespmem:s26], [sflag:$0x4] =	stream.indirect_vreg.gather [hbm4b:s4+s5], $0x80, v2, vm0, $0xb8;
	[tilespmem:$0x18C00] =	vst v63  }
0x7a: {  	s29 =	simm.s32 $0x10400;
	s4 =	simm.s32 $0x0  }
0x7b: {  	[tilespmem:s29], [sflag:$0x4] =	stream.indirect_vreg.gather [hbm4b:s6+s5], $0x80, v2, vm0, $0xb8;
	[tilespmem:$0x18C00] =	vst v63  }
.LBB2_2:
0x7c: {  	p0 =	seq.s32 s4, $0x0  }
0x7d: {  	s0 =	simm.s32 @!p0 $0x5  }
0x7e: {  	_ =	swait.ge @!p0 [sflag:s0], $0x4000  }
0x7f: {  	[sflag:s0] =	ssyncset.done @!p0 $0x0  }
0x80: {  	s10 =	simm.s32 $0x0;
	s6 =	simm.s32 $0x1;
	[sflag:s0] =	ssyncadd.s32 @!p0 $0xFFFFC000  }
0x81: {  	s1 =	sand.u32 $0x40, s10;
	_ =	swait.ge [sflag:s6], $0x4000  }
0x82: {  	s2 =	sand.u32 $0x780, s10;
	s3 =	sor.u32 $0x30, s1;
	[sflag:s6] =	ssyncset.done $0x0  }
0x83: {  	s11 =	sor.u32 s3, s2;
	[sflag:s6] =	ssyncadd.s32 $0xFFFFC000  }
0x84: {  	v2 =	vld [tilespmem:s11+$0x0]  }
0x85: {  	s12 =	sor.u32 $0x10, s1;
	v3 =	vld [tilespmem:s10+$0x0]  }
0x86: {  	s7 =	sor.u32 $0x20, s1;
	s8 =	sor.u32 s12, s2  }
0x87: {  	s2 =	sor.u32 s7, s2;
	v4 =	vld [tilespmem:s8+$0x0]  }
0x88: {  	v5 =	vld [tilespmem:s2+$0x0]  }
0x89: {  	v6 =	vshll.u32 v2, $0x3  }
0x8a: {  	v7 =	vshll.u32 v3, $0x3;
	v2 =	vand.u32 $0x7F, v2;
	v6 =	vand.u32 $0xFFFFFC00, v6  }
0x8b: {  	v3 =	vand.u32 $0x7F, v3;
	v8 =	vand.u32 $0xFFFFFC00, v7;
	v7 =	vor.u32 v2, v6  }
0x8c: {  	v2 =	vor.u32 v3, v8;
	v3 =	vshll.u32 v4, $0x3  }
0x8d: {  	v6 =	vshll.u32 v5, $0x3;
	v4 =	vand.u32 $0x7F, v4;
	v3 =	vand.u32 $0xFFFFFC00, v3  }
0x8e: {  	v8 =	vand.u32 $0xFFFFFC00, v6;
	v6 =	vor.u32 v4, v3;
	v3 =	vand.u32 $0x7F, v5  }
0x8f: {  	v5 =	vor.u32 v3, v8  }
0x90: {  	v3 =	vld.idx.msk [tilespmem:v7+s19+$0x0], $0xffff  }
0x91: {  	v8 =	vor.u32 $0x80, v7;
	v4 =	vld.idx.msk [tilespmem:v2+s19+$0x0], $0xffff  }
0x92: {  	s0 =	sand.u32 $0x3C00, s10;
	v9 =	vor.u32 $0x80, v2  }
0x93: {  	s13 =	sadd.s32 $0x10C00, s0;
	v10 =	vld.idx.msk [tilespmem:v6+s19+$0x0], $0xffff  }
0x94: {  	s3 =	sor.u32 s3, s13;
	v11 =	vor.u32 $0x80, v6;
	v12 =	vld.idx.msk [tilespmem:v5+s19+$0x0], $0xffff  }
0x95: {  	s0 =	sor.u32 s1, s13;
	v13 =	vor.u32 $0x80, v5;
	[tilespmem:s3+$0x0] =	vst v3  }
0x96: {  	[tilespmem:s0+$0x0] =	vst v4;
	v3 =	vld.idx.msk [tilespmem:v8+s19+$0x0], $0xffff  }
0x97: {  	s15 =	sor.u32 s12, s13;
	v4 =	vld.idx.msk [tilespmem:v9+s19+$0x0], $0xffff;
	v8 =	vor.u32 $0x100, v7  }
0x98: {  	s2 =	sor.u32 s7, s13;
	v9 =	vor.u32 $0x100, v2;
	[tilespmem:s15+$0x0] =	vst v10  }
0x99: {  	v10 =	vld.idx.msk [tilespmem:v11+s19+$0x0], $0xffff;
	[tilespmem:s2+$0x0] =	vst v12  }
0x9a: {  	v11 =	vor.u32 $0x100, v6;
	v12 =	vld.idx.msk [tilespmem:v13+s19+$0x0], $0xffff  }
0x9b: {  	v13 =	vor.u32 $0x100, v5;
	[tilespmem:s3+$0x80] =	vst v3  }
0x9c: {  	[tilespmem:s0+$0x80] =	vst v4;
	v3 =	vld.idx.msk [tilespmem:v8+s19+$0x0], $0xffff  }
0x9d: {  	v4 =	vld.idx.msk [tilespmem:v9+s19+$0x0], $0xffff;
	v8 =	vor.u32 $0x180, v7  }
0x9e: {  	v9 =	vor.u32 $0x180, v2;
	[tilespmem:s15+$0x80] =	vst v10  }
0x9f: {  	v10 =	vld.idx.msk [tilespmem:v11+s19+$0x0], $0xffff;
	[tilespmem:s2+$0x80] =	vst v12  }
0xa0: {  	s1 =	simm.s32 $0x40;
	v11 =	vor.u32 $0x180, v6;
	v12 =	vld.idx.msk [tilespmem:v13+s19+$0x0], $0xffff  }
0xa1: {  	s16 =	sand.u32 $0x40, s1;
	v13 =	vld [tilespmem:s1+$0x0];
	[tilespmem:s3+$0x100] =	vst v3  }
0xa2: {  	s11 =	sand.u32 $0x780, s1;
	s17 =	sor.u32 $0x30, s16;
	[tilespmem:s0+$0x100] =	vst v4;
	v3 =	vld.idx.msk [tilespmem:v8+s19+$0x0], $0xffff  }
0xa3: {  	s10 =	sor.u32 s17, s11;
	v4 =	vor.u32 $0x180, v5;
	v8 =	vld.idx.msk [tilespmem:v9+s19+$0x0], $0xffff  }
0xa4: {  	s9 =	sor.u32 $0x10, s16;
	v9 =	vor.u32 $0x200, v7;
	[tilespmem:s15+$0x100] =	vst v10;
	v10 =	vld [tilespmem:s10+$0x0]  }
0xa5: {  	s18 =	sor.u32 $0x20, s16;
	s12 =	sor.u32 s9, s11;
	v11 =	vld.idx.msk [tilespmem:v11+s19+$0x0], $0xffff  }
0xa6: {  	s11 =	sor.u32 s18, s11;
	v15 =	vld [tilespmem:s12+$0x0];
	v14 =	vor.u32 $0x200, v6;
	v16 =	vshll.u32 v13, $0x3  }
0xa7: {  	v17 =	vld [tilespmem:s11+$0x0];
	[tilespmem:s2+$0x100] =	vst v12;
	v12 =	vor.u32 $0x200, v2;
	v13 =	vand.u32 $0x7F, v13;
	v16 =	vand.u32 $0xFFFFFC00, v16  }
0xa8: {  	p0 =	por $0x0, $0x0;
	v18 =	vld.idx.msk [tilespmem:v4+s19+$0x0], $0xffff;
	[tilespmem:s3+$0x180] =	vst v3;
	v3 =	vor.u32 v13, v16;
	s3 =	simm.s32 $0x1  }
0xa9: {  	v13 =	vor.u32 $0x200, v5;
	v9 =	vld.idx.msk [tilespmem:v9+s19+$0x0], $0xffff;
	v4 =	vshll.u32 v10, $0x3;
	s3 =	simm.s32 @!p0 $0x0  }
0xaa: {  	v10 =	vand.u32 $0x7F, v10;
	[tilespmem:s15+$0x180] =	vst v11;
	v4 =	vand.u32 $0xFFFFFC00, v4;
	s3 =	sshll.u32 s3, $0x6;
	v11 =	vor.u32 $0x280, v7  }
0xab: {  	v16 =	vor.u32 $0x280, v6;
	[tilespmem:s0+$0x180] =	vst v8;
	v8 =	vld.idx.msk [tilespmem:v14+s19+$0x0], $0xffff;
	v14 =	vshll.u32 v15, $0x3;
	v4 =	vor.u32 v10, v4;
	s0 =	sadd.s32 $0x0, s3  }
0xac: {  	v10 =	vld.idx.msk [tilespmem:v12+s19+$0x0], $0xffff;
	v12 =	vshll.u32 v17, $0x3;
	v15 =	vand.u32 $0x7F, v15;
	v14 =	vand.u32 $0xFFFFFC00, v14;
	s3 =	sadd.s32 $0x30, s0  }
0xad: {  	v12 =	vand.u32 $0xFFFFFC00, v12;
	[tilespmem:s2+$0x180] =	vst v18;
	v19 =	vld.idx.msk [tilespmem:v3+s19+$0x0], $0xffff;
	v23 =	vor.u32 v15, v14;
	v14 =	vand.u32 $0x7F, v17;
	s21 =	sor.u32 $0x200, s3  }
0xae: {  	s22 =	sadd.s32 $0x10, s0;
	v13 =	vld.idx.msk [tilespmem:v13+s19+$0x0], $0xffff;
	v12 =	vor.u32 v14, v12;
	[tilespmem:s21+$0x10C00] =	vst v9  }
0xaf: {  	s24 =	sor.u32 $0x200, s22;
	v9 =	vor.u32 $0x280, v2;
	v11 =	vld.idx.msk [tilespmem:v11+s19+$0x0], $0xffff  }
0xb0: {  	s25 =	sor.u32 $0x200, s0;
	s2 =	simm.s32 $0x200;
	v14 =	vor.u32 $0x280, v5;
	v15 =	vld.idx.msk [tilespmem:v4+s19+$0x0], $0xffff;
	[tilespmem:s24+$0x10C00] =	vst v8  }
0xb1: {  	s11 =	sadd.s32 $0x20, s0;
	s26 =	sand.u32 $0x3C00, s2;
	[tilespmem:s25+$0x10C00] =	vst v10;
	v10 =	vor.u32 $0x80, v3;
	v8 =	vld.idx.msk [tilespmem:v16+s19+$0x0], $0xffff  }
0xb2: {  	s13 =	sor.u32 $0x200, s11;
	s12 =	sadd.s32 $0x10C00, s26;
	v16 =	vor.u32 $0x300, v7;
	v17 =	vld.idx.msk [tilespmem:v23+s19+$0x0], $0xffff  }
0xb3: {  	v18 =	vor.u32 $0x80, v4;
	s23 =	sor.u32 s16, s12;
	[tilespmem:s13+$0x10C00] =	vst v13;
	v20 =	vld.idx.msk [tilespmem:v12+s19+$0x0], $0xffff  }
0xb4: {  	s29 =	sor.u32 $0x280, s3;
	v21 =	vor.u32 $0x80, v23;
	[tilespmem:s23+$0x0] =	vst v19;
	v24 =	vld.idx.msk [tilespmem:v9+s19+$0x0], $0xffff  }
0xb5: {  	s7 =	sor.u32 s17, s12;
	v9 =	vor.u32 $0x80, v12;
	v13 =	vld.idx.msk [tilespmem:v14+s19+$0x0], $0xffff;
	[tilespmem:s29+$0x10C00] =	vst v11  }
0xb6: {  	s6 =	sor.u32 s18, s12;
	s25 =	sor.u32 s9, s12;
	s12 =	sor.u32 $0x280, s22;
	v11 =	vor.u32 $0x300, v6;
	[tilespmem:s7+$0x0] =	vst v15;
	v10 =	vld.idx.msk [tilespmem:v10+s19+$0x0], $0xffff  }
0xb7: {  	v15 =	vor.u32 $0x300, v5;
	v14 =	vld.idx.msk [tilespmem:v16+s19+$0x0], $0xffff;
	[tilespmem:s12+$0x10C00] =	vst v8  }
0xb8: {  	v7 =	vor.u32 $0x380, v7;
	v18 =	vld.idx.msk [tilespmem:v18+s19+$0x0], $0xffff;
	[tilespmem:s25+$0x0] =	vst v17  }
0xb9: {  	v19 =	vor.u32 $0x100, v4;
	s13 =	sor.u32 $0x280, s11;
	v17 =	vld.idx.msk [tilespmem:v21+s19+$0x0], $0xffff;
	[tilespmem:s6+$0x0] =	vst v20  }
0xba: {  	v21 =	vor.u32 $0x100, v3;
	[tilespmem:s13+$0x10C00] =	vst v13;
	v9 =	vld.idx.msk [tilespmem:v9+s19+$0x0], $0xffff  }
0xbb: {  	s15 =	sor.u32 $0x300, s3;
	v25 =	vld.idx.msk [tilespmem:v11+s19+$0x0], $0xffff;
	[tilespmem:s23+$0x80] =	vst v10  }
0xbc: {  	v8 =	vor.u32 $0x100, v23;
	v16 =	vld.idx.msk [tilespmem:v15+s19+$0x0], $0xffff;
	[tilespmem:s15+$0x10C00] =	vst v14  }
0xbd: {  	v22 =	vor.u32 $0x100, v12;
	[tilespmem:s7+$0x80] =	vst v18;
	v26 =	vld.idx.msk [tilespmem:v7+s19+$0x0], $0xffff  }
0xbe: {  	s16 =	sshll.u32 s4, $0x7;
	v18 =	vor.u32 $0x300, v2;
	v20 =	vld.idx.msk [tilespmem:v19+s19+$0x0], $0xffff;
	[tilespmem:s25+$0x80] =	vst v17  }
0xbf: {  	v27 =	vor.u32 $0x380, v6;
	v19 =	vld.idx.msk [tilespmem:v21+s19+$0x0], $0xffff;
	[dreg:$0x11] =	wrdreg s16  }
0xc0: {  	s17 =	sor.u32 $0x280, s0;
	v6 =	vor.u32 $0x380, v23;
	[tilespmem:s6+$0x80] =	vst v9  }
0xc1: {  	v13 =	vor.u32 $0x200, v23;
	v15 =	vor.u32 $0x180, v23;
	v21 =	vld.idx.msk [tilespmem:v8+s19+$0x0], $0xffff;
	[tilespmem:s17+$0x10C00] =	vst v24;
	v24 =	vor.u32 $0x180, v4  }
0xc2: {  	s21 =	simm.s32 $0x4;
	s26 =	sor.u32 $0x300, s11;
	s18 =	sor.u32 $0x300, s22;
	v10 =	vor.u32 $0x280, v23;
	v8 =	vor.u32 $0x300, v23;
	v23 =	vor.u32 $0x180, v3;
	v22 =	vld.idx.msk [tilespmem:v22+s19+$0x0], $0xffff  }
0xc3: {  	s24 =	sor.u32 $0x300, s0;
	s22 =	sor.u32 $0x380, s22;
	s29 =	sor.u32 $0x380, s3;
	v5 =	vor.u32 $0x380, v5;
	v11 =	vor.u32 $0x200, v12;
	v14 =	vor.u32 $0x180, v12;
	[tilespmem:s18+$0x10C00] =	vst v25;
	v17 =	vld.idx.msk [tilespmem:v18+s19+$0x0], $0xffff  }
0xc4: {  	s3 =	sor.u32 $0x380, s0;
	s15 =	simm.s32 $0x80;
	v7 =	vor.u32 $0x300, v12;
	v9 =	vor.u32 $0x280, v12;
	s18 =	sor.u32 $0x380, s11;
	v12 =	vor.u32 $0x380, v12;
	v18 =	vld.idx.msk [tilespmem:v27+s19+$0x0], $0xffff;
	[tilespmem:s29+$0x10C00] =	vst v26  }
.LBB2_3:
0xc5: {  	v25 =	vld [tilespmem:s15+$0x0];
	[tilespmem:s7+$0x100] =	vst v20;
	s1 =	sadd.s32 $0x40, s1  }
0xc6: {  	s21 =	sadd.s32 $0x4, s21;
	s17 =	sand.u32 $0x40, s1;
	[tilespmem:s23+$0x100] =	vst v19;
	v19 =	vld.idx.msk [tilespmem:v24+s19+$0x0], $0xffff  }
0xc7: {  	s8 =	sand.u32 $0x780, s1;
	p1 =	slt.u32 s21, $0x7C;
	s0 =	sor.u32 $0x30, s17;
	v20 =	vld.idx.msk [tilespmem:v23+s19+$0x0], $0xffff;
	[tilespmem:s25+$0x100] =	vst v21  }
0xc8: {  	s29 =	sor.u32 $0x10, s17;
	s16 =	sor.u32 $0x20, s17;
	v21 =	vor.u32 $0x200, v4;
	s9 =	sor.u32 s0, s8;
	v15 =	vld.idx.msk [tilespmem:v15+s19+$0x0], $0xffff;
	[tilespmem:s6+$0x100] =	vst v22  }
0xc9: {  	v23 =	vor.u32 $0x200, v3;
	s10 =	sor.u32 s29, s8;
	s8 =	sor.u32 s16, s8;
	v22 =	vld [tilespmem:s9+$0x0];
	[tilespmem:s26+$0x10C00] =	vst v16  }
0xca: {  	v16 =	vld [tilespmem:s10+$0x0];
	[tilespmem:s24+$0x10C00] =	vst v17  }
0xcb: {  	v17 =	vshll.u32 v25, $0x3;
	v24 =	vld [tilespmem:s8+$0x0];
	[tilespmem:s22+$0x10C00] =	vst v18  }
0xcc: {  	v18 =	vand.u32 $0x7F, v25;
	v17 =	vand.u32 $0xFFFFFC00, v17;
	v14 =	vld.idx.msk [tilespmem:v14+s19+$0x0], $0xffff;
	[tilespmem:s7+$0x180] =	vst v19;
	v19 =	vor.u32 $0x380, v2;
	v2 =	vmovc v3  }
0xcd: {  	p0 =	por !p0, !p0;
	v3 =	vor.u32 v18, v17;
	s7 =	simm.s32 $0x1;
	[tilespmem:s23+$0x180] =	vst v20;
	v17 =	vld.idx.msk [tilespmem:v21+s19+$0x0], $0xffff  }
0xce: {  	s7 =	simm.s32 @!p0 $0x0;
	v18 =	vshll.u32 v22, $0x3;
	v20 =	vld.idx.msk [tilespmem:v23+s19+$0x0], $0xffff;
	[tilespmem:s25+$0x180] =	vst v15  }
0xcf: {  	v15 =	vand.u32 $0x7F, v22;
	s7 =	sshll.u32 s7, $0x6;
	v18 =	vand.u32 $0xFFFFFC00, v18;
	v21 =	vld.idx.msk [tilespmem:v13+s19+$0x0], $0xffff;
	v13 =	vor.u32 $0x280, v4  }
0xd0: {  	v22 =	vshll.u32 v16, $0x3;
	s7 =	sadd.s32 s7, s2;
	v23 =	vshll.u32 v24, $0x3;
	v18 =	vor.u32 v15, v18;
	v25 =	vld.idx.msk [tilespmem:v5+s19+$0x0], $0xffff;
	v5 =	vmovc v12  }
0xd1: {  	v12 =	vand.u32 $0x7F, v16;
	v15 =	vand.u32 $0xFFFFFC00, v22;
	s13 =	sadd.s32 $0x10, s7;
	s23 =	sadd.s32 $0x20, s7;
	s8 =	sadd.s32 $0x30, s7;
	v16 =	vand.u32 $0xFFFFFC00, v23;
	v19 =	vld.idx.msk [tilespmem:v19+s19+$0x0], $0xffff  }
0xd2: {  	v12 =	vor.u32 v12, v15;
	v15 =	vand.u32 $0x7F, v24;
	v23 =	vor.u32 $0x280, v2;
	s22 =	sor.u32 $0x200, s13;
	s9 =	sor.u32 $0x200, s8;
	v22 =	vld.idx.msk [tilespmem:v3+s19+$0x0], $0xffff;
	[tilespmem:s6+$0x180] =	vst v14;
	s6 =	sor.u32 $0x200, s23  }
0xd3: {  	s10 =	sor.u32 $0x200, s7;
	s12 =	sor.u32 $0x280, s13;
	s11 =	sor.u32 $0x280, s23;
	v24 =	vor.u32 $0x80, v12;
	v26 =	vor.u32 $0x100, v12;
	v16 =	vor.u32 v15, v16;
	v27 =	vld.idx.msk [tilespmem:v11+s19+$0x0], $0xffff;
	[tilespmem:s9+$0x10C00] =	vst v17  }
0xd4: {  	s26 =	sor.u32 $0x300, s23;
	v15 =	vor.u32 $0x180, v12;
	v17 =	vor.u32 $0x80, v16;
	v28 =	vor.u32 $0x100, v16;
	s9 =	sor.u32 $0x300, s13;
	[tilespmem:s10+$0x10C00] =	vst v20;
	s10 =	sor.u32 $0x280, s7;
	v20 =	vld.idx.msk [tilespmem:v13+s19+$0x0], $0xffff  }
0xd5: {  	s24 =	sor.u32 $0x300, s7;
	v14 =	vor.u32 $0x180, v16;
	v11 =	vor.u32 $0x200, v16;
	v13 =	vor.u32 $0x200, v12;
	v29 =	vld.idx.msk [tilespmem:v18+s19+$0x0], $0xffff;
	[tilespmem:s22+$0x10C00] =	vst v21;
	s22 =	sor.u32 $0x380, s13;
	s13 =	sor.u32 $0x380, s23  }
0xd6: {  	v31 =	vor.u32 $0x300, v4;
	s7 =	sor.u32 $0x380, s7;
	v21 =	vor.u32 $0x280, v16;
	v30 =	vld.idx.msk [tilespmem:v10+s19+$0x0], $0xffff;
	v10 =	vor.u32 $0x280, v12;
	[tilespmem:s18+$0x10C00] =	vst v25;
	s18 =	smov.u32 s13  }
0xd7: {  	s2 =	sadd.s32 $0x200, s2;
	v34 =	vor.u32 $0x80, v18;
	v32 =	vor.u32 $0x300, v12;
	v33 =	vor.u32 $0x300, v16;
	v25 =	vld.idx.msk [tilespmem:v12+s19+$0x0], $0xffff;
	[tilespmem:s3+$0x10C00] =	vst v19;
	s3 =	smov.u32 s7  }
0xd8: {  	v35 =	vor.u32 $0x380, v12;
	s7 =	sand.u32 $0x3C00, s2;
	v19 =	vor.u32 $0x80, v3;
	v12 =	vor.u32 $0x380, v16;
	v36 =	vld.idx.msk [tilespmem:v16+s19+$0x0], $0xffff  }
0xd9: {  	s13 =	sadd.s32 $0x10C00, s7;
	v37 =	vld.idx.msk [tilespmem:v23+s19+$0x0], $0xffff;
	[tilespmem:s6+$0x10C00] =	vst v27;
	s6 =	sor.u32 $0x280, s8  }
0xda: {  	s23 =	sor.u32 s17, s13;
	s25 =	sor.u32 s29, s13;
	s7 =	sor.u32 s0, s13;
	v16 =	vld.idx.msk [tilespmem:v9+s19+$0x0], $0xffff;
	[tilespmem:s6+$0x10C00] =	vst v20;
	v9 =	vmov v21  }
0xdb: {  	s6 =	sor.u32 s16, s13;
	[tilespmem:s7+$0x0] =	vst v29;
	v20 =	vld.idx.msk [tilespmem:v31+s19+$0x0], $0xffff  }
0xdc: {  	[tilespmem:s23+$0x0] =	vst v22;
	v21 =	vld.idx.msk [tilespmem:v34+s19+$0x0], $0xffff  }
0xdd: {  	v22 =	vor.u32 $0x380, v4;
	v4 =	vmov v18;
	v19 =	vld.idx.msk [tilespmem:v19+s19+$0x0], $0xffff;
	[tilespmem:s25+$0x0] =	vst v25  }
0xde: {  	v23 =	vor.u32 $0x100, v4;
	v18 =	vld.idx.msk [tilespmem:v24+s19+$0x0], $0xffff;
	[tilespmem:s6+$0x0] =	vst v36  }
0xdf: {  	v24 =	vor.u32 $0x100, v3;
	v17 =	vld.idx.msk [tilespmem:v17+s19+$0x0], $0xffff;
	[tilespmem:s12+$0x10C00] =	vst v30  }
0xe0: {  	s0 =	sor.u32 $0x300, s8;
	v25 =	vld.idx.msk [tilespmem:v8+s19+$0x0], $0xffff;
	[tilespmem:s11+$0x10C00] =	vst v16;
	v8 =	vmov v32  }
0xe1: {  	v16 =	vld.idx.msk [tilespmem:v7+s19+$0x0], $0xffff;
	[tilespmem:s0+$0x10C00] =	vst v20;
	v7 =	vmov v33  }
0xe2: {  	v27 =	vor.u32 $0x300, v2;
	[tilespmem:s7+$0x80] =	vst v21;
	v29 =	vld.idx.msk [tilespmem:v22+s19+$0x0], $0xffff  }
0xe3: {  	[tilespmem:s23+$0x80] =	vst v19;
	v20 =	vld.idx.msk [tilespmem:v23+s19+$0x0], $0xffff  }
.Ltmp2:
0xe4: {  	v19 =	vld.idx.msk [tilespmem:v24+s19+$0x0], $0xffff;
	[tilespmem:s25+$0x80] =	vst v18;
	(pc) =	sbr.rel @p1 .LBB2_3-.Ltmp2, $4  }
0xe5: {  	v24 =	vor.u32 $0x180, v4;
	v21 =	vld.idx.msk [tilespmem:v26+s19+$0x0], $0xffff;
	[tilespmem:s6+$0x80] =	vst v17  }
0xe6: {  	v23 =	vor.u32 $0x180, v3;
	v22 =	vld.idx.msk [tilespmem:v28+s19+$0x0], $0xffff;
	[tilespmem:s10+$0x10C00] =	vst v37  }
0xe7: {  	s0 =	sor.u32 $0x380, s8;
	v17 =	vld.idx.msk [tilespmem:v27+s19+$0x0], $0xffff;
	[tilespmem:s9+$0x10C00] =	vst v25  }
0xe8: {  	s15 =	sadd.s32 $0x40, s15;
	v18 =	vld.idx.msk [tilespmem:v6+s19+$0x0], $0xffff;
	[tilespmem:s0+$0x10C00] =	vst v29;
	v6 =	vmov v35  }
0xe9: {  	_ =	sdelay $0x2  }
0xea: {  	[tilespmem:s7+$0x100] =	vst v20  }
0xeb: {  	v20 =	vld.idx.msk [tilespmem:v24+s19+$0x0], $0xffff;
	[tilespmem:s25+$0x100] =	vst v21  }
0xec: {  	[tilespmem:s23+$0x100] =	vst v19;
	v21 =	vor.u32 $0x200, v4;
	v15 =	vld.idx.msk [tilespmem:v15+s19+$0x0], $0xffff  }
0xed: {  	v19 =	vld.idx.msk [tilespmem:v23+s19+$0x0], $0xffff;
	[tilespmem:s6+$0x100] =	vst v22  }
0xee: {  	v22 =	vor.u32 $0x200, v3;
	v14 =	vld.idx.msk [tilespmem:v14+s19+$0x0], $0xffff;
	_ =	sdelay $0x1  }
0xef: {  	p0 =	por !p0, !p0;
	s0 =	simm.s32 $0x1;
	[tilespmem:s7+$0x180] =	vst v20  }
0xf0: {  	s0 =	simm.s32 @!p0 $0x0;
	v20 =	vld.idx.msk [tilespmem:v21+s19+$0x0], $0xffff;
	[tilespmem:s25+$0x180] =	vst v15  }
0xf1: {  	s0 =	sshll.u32 s0, $0x6;
	[tilespmem:s23+$0x180] =	vst v19;
	v13 =	vld.idx.msk [tilespmem:v13+s19+$0x0], $0xffff  }
0xf2: {  	s0 =	sadd.s32 s0, s2;
	v15 =	vor.u32 $0x280, v4;
	[tilespmem:s6+$0x180] =	vst v14;
	v14 =	vld.idx.msk [tilespmem:v22+s19+$0x0], $0xffff  }
0xf3: {  	s1 =	sadd.s32 $0x30, s0;
	v11 =	vld.idx.msk [tilespmem:v11+s19+$0x0], $0xffff  }
0xf4: {  	s2 =	sadd.s32 $0x10, s0;
	s10 =	sor.u32 $0x200, s1;
	v19 =	vor.u32 $0x280, v3  }
0xf5: {  	s12 =	sor.u32 $0x200, s2;
	[tilespmem:s10+$0x10C00] =	vst v20  }
0xf6: {  	s11 =	sadd.s32 $0x20, s0;
	s15 =	sor.u32 $0x200, s0;
	[tilespmem:s12+$0x10C00] =	vst v13  }
0xf7: {  	s13 =	sor.u32 $0x200, s11;
	v13 =	vld.idx.msk [tilespmem:v15+s19+$0x0], $0xffff;
	[tilespmem:s15+$0x10C00] =	vst v14  }
0xf8: {  	[tilespmem:s13+$0x10C00] =	vst v11;
	v10 =	vld.idx.msk [tilespmem:v10+s19+$0x0], $0xffff;
	v11 =	vor.u32 $0x300, v4  }
0xf9: {  	v14 =	vld.idx.msk [tilespmem:v19+s19+$0x0], $0xffff  }
0xfa: {  	v15 =	vor.u32 $0x300, v3;
	v9 =	vld.idx.msk [tilespmem:v9+s19+$0x0], $0xffff  }
0xfb: {  	[tilespmem:s26+$0x10C00] =	vst v16;
	s16 =	sor.u32 $0x280, s1  }
0xfc: {  	s17 =	sor.u32 $0x280, s2;
	[tilespmem:s16+$0x10C00] =	vst v13  }
0xfd: {  	v2 =	vor.u32 $0x380, v2;
	s23 =	sor.u32 $0x280, s0;
	[tilespmem:s17+$0x10C00] =	vst v10;
	v10 =	vld.idx.msk [tilespmem:v11+s19+$0x0], $0xffff  }
0xfe: {  	s21 =	sor.u32 $0x280, s11;
	v4 =	vor.u32 $0x380, v4;
	[tilespmem:s23+$0x10C00] =	vst v14;
	v8 =	vld.idx.msk [tilespmem:v8+s19+$0x0], $0xffff  }
0xff: {  	[tilespmem:s21+$0x10C00] =	vst v9;
	v9 =	vld.idx.msk [tilespmem:v15+s19+$0x0], $0xffff  }
0x100: {  	[tilespmem:s24+$0x10C00] =	vst v17;
	v3 =	vor.u32 $0x380, v3;
	v7 =	vld.idx.msk [tilespmem:v7+s19+$0x0], $0xffff  }
0x101: {  	v5 =	vld.idx.msk [tilespmem:v5+s19+$0x0], $0xffff;
	[tilespmem:s22+$0x10C00] =	vst v18;
	s25 =	sor.u32 $0x300, s1  }
0x102: {  	v2 =	vld.idx.msk [tilespmem:v2+s19+$0x0], $0xffff;
	s26 =	sor.u32 $0x300, s2;
	[tilespmem:s25+$0x10C00] =	vst v10  }
0x103: {  	s8 =	sor.u32 $0x300, s0;
	[tilespmem:s26+$0x10C00] =	vst v8;
	v4 =	vld.idx.msk [tilespmem:v4+s19+$0x0], $0xffff  }
0x104: {  	s29 =	sor.u32 $0x300, s11;
	[tilespmem:s8+$0x10C00] =	vst v9;
	v6 =	vld.idx.msk [tilespmem:v6+s19+$0x0], $0xffff  }
0x105: {  	[tilespmem:s29+$0x10C00] =	vst v7;
	v3 =	vld.idx.msk [tilespmem:v3+s19+$0x0], $0xffff  }
0x106: {  	[tilespmem:s18+$0x10C00] =	vst v5;
	v7 =	vld.idx.msk [tilespmem:v12+s19+$0x0], $0xffff  }
0x107: {  	s1 =	sor.u32 $0x380, s1;
	[tilespmem:s3+$0x10C00] =	vst v2  }
0x108: {  	s9 =	sor.u32 $0x380, s2;
	[tilespmem:s1+$0x10C00] =	vst v4  }
0x109: {  	s0 =	sor.u32 $0x380, s0;
	[tilespmem:s9+$0x10C00] =	vst v6  }
0x10a: {  	s10 =	sor.u32 $0x380, s11;
	[tilespmem:s0+$0x10C00] =	vst v3  }
0x10b: {  	[tilespmem:s10+$0x10C00] =	vst v7  }
0x10c: {  	s11 =	sshll.u32 s4, $0xD;
	s0 =	rddreg [dreg:$0xe]  }
0x10d: {  	s12 =	simm.s32 $0x10C00;
	s0 =	sadd.s32 s11, s0  }
0x10e: {  	[hbm4b:s0+s5] =	stream.linear.scatter [tilespmem:s12], [sflag:$0x5], $0x4000, $0x38;
	[tilespmem:$0x18C00] =	vst v63  }
0x10f: {  	p0 =	seq.s32 s4, $0x1F;
	s0 =	rddreg [dreg:$0x11]  }
0x110: {  	s1 =	sshrl.u32 @!p0 s0, $0x2  }
0x111: {  	v2 =	vld.msk @!p0 [tilespmem:s1+$0x820], $0xff;
	_ =	sdelay $0x4  }
0x112: {  	v3 =	vshll.u32 @!p0 v2, $0x4  }
0x113: {  	v4 =	vlaneseq.u32 @!p0;
	v2 =	vand.u32 @!p0 $0x7, v2;
	v3 =	vand.u32 @!p0 $0xFFFFFF80, v3  }
0x114: {  	v2 =	vor.u32 @!p0 v2, v3;
	v3 =	vand.u32 @!p0 $0x7, v4;
	v4 =	vshrl.u32 @!p0 v4, $0x3  }
0x115: {  	v2 =	vperm.xlane @!p0 v2, v3;
	v3 =	vmul.u32 @!p0 $0x8, v4;
	_ =	sdelay $0x1  }
0x116: {  	v2 =	vadd.s32 @!p0 v3, v2;
	_ =	sdelay $0x3  }
0x117: {  	vm1 =	vmmov @!p0 $0xffff;
	s2 =	simm.s32 @!p0 $0xC00;
	s0 =	simm.s32 @!p0 $0x0  }
0x118: {  	[tilespmem:s2], [sflag:$0x1] =	stream.indirect_vreg.gather @!p0 [hbm4b:s14+s0], $0x80, v2, vm1, $0xb8;
	[tilespmem:$0x18C00] =	vst v63  }
0x119: {  	s2 =	simm.s32 @!p0 $0x1400  }
0x11a: {  	[tilespmem:s2], [sflag:$0x1] =	stream.indirect_vreg.gather @!p0 [hbm4b:s31+s0], $0x80, v2, vm1, $0xb8;
	[tilespmem:$0x18C00] =	vst v63  }
0x11b: {  	s3 =	rddreg [dreg:$0x8];
	s2 =	simm.s32 @!p0 $0x1C00  }
0x11c: {  	[tilespmem:s2], [sflag:$0x1] =	stream.indirect_vreg.gather @!p0 [hbm4b:s3+s0], $0x80, v2, vm1, $0xb8;
	[tilespmem:$0x18C00] =	vst v63  }
0x11d: {  	s2 =	simm.s32 @!p0 $0x2400;
	s3 =	rddreg [dreg:$0x9]  }
0x11e: {  	[tilespmem:s2], [sflag:$0x1] =	stream.indirect_vreg.gather @!p0 [hbm4b:s3+s0], $0x80, v2, vm1, $0xb8;
	[tilespmem:$0x18C00] =	vst v63  }
0x11f: {  	s2 =	simm.s32 @!p0 $0x2C00;
	s3 =	rddreg [dreg:$0xa]  }
0x120: {  	[tilespmem:s2], [sflag:$0x1] =	stream.indirect_vreg.gather @!p0 [hbm4b:s3+s0], $0x80, v2, vm1, $0xb8;
	[tilespmem:$0x18C00] =	vst v63  }
0x121: {  	s2 =	simm.s32 @!p0 $0x3400;
	s3 =	rddreg [dreg:$0xb]  }
0x122: {  	[tilespmem:s2], [sflag:$0x1] =	stream.indirect_vreg.gather @!p0 [hbm4b:s3+s0], $0x80, v2, vm1, $0xb8;
	[tilespmem:$0x18C00] =	vst v63  }
0x123: {  	p1 =	seq.s32 @!p0 s4, $0x0;
	s2 =	simm.s32 @!p0 $0x3C00;
	s3 =	rddreg [dreg:$0xc]  }
0x124: {  	[tilespmem:s2], [sflag:$0x1] =	stream.indirect_vreg.gather @!p0 [hbm4b:s3+s0], $0x80, v2, vm1, $0xb8;
	[tilespmem:$0x18C00] =	vst v63  }
0x125: {  	p1 =	por p0, !p1;
	s2 =	simm.s32 @!p0 $0x4400;
	s3 =	rddreg [dreg:$0xd]  }
0x126: {  	[tilespmem:s2], [sflag:$0x1] =	stream.indirect_vreg.gather @!p0 [hbm4b:s3+s0], $0x80, v2, vm1, $0xb8;
	[tilespmem:$0x18C00] =	vst v63  }
0x127: {  	s0 =	simm.s32 @p1 $0x6  }
0x128: {  	_ =	swait.ge @p1 [sflag:s0], $0x4000  }
0x129: {  	[sflag:s0] =	ssyncset.done @p1 $0x0  }
0x12a: {  	s15 =	simm.s32 $0x2;
	s13 =	simm.s32 $0x0;
	[sflag:s0] =	ssyncadd.s32 @p1 $0xFFFFC000  }
0x12b: {  	s16 =	sand.u32 $0x40, s13;
	_ =	swait.ge [sflag:s15], $0x4000  }
0x12c: {  	s17 =	sand.u32 $0x780, s13;
	s18 =	sor.u32 $0x30, s16;
	[sflag:s15] =	ssyncset.done $0x0  }
0x12d: {  	s21 =	sor.u32 s18, s17;
	[sflag:s15] =	ssyncadd.s32 $0xFFFFC000  }
0x12e: {  	v2 =	vld [tilespmem:s21+$0x0]  }
0x12f: {  	s22 =	sor.u32 $0x10, s16;
	v3 =	vld [tilespmem:s13+$0x0]  }
0x130: {  	s8 =	sor.u32 $0x20, s16;
	s9 =	sor.u32 s22, s17  }
0x131: {  	s3 =	sor.u32 s8, s17;
	v4 =	vld [tilespmem:s9+$0x0]  }
0x132: {  	v5 =	vld [tilespmem:s3+$0x0]  }
0x133: {  	v6 =	vshll.u32 v2, $0x3  }
0x134: {  	v7 =	vshll.u32 v3, $0x3;
	v2 =	vand.u32 $0x7F, v2;
	v6 =	vand.u32 $0xFFFFFC00, v6  }
0x135: {  	v3 =	vand.u32 $0x7F, v3;
	v8 =	vand.u32 $0xFFFFFC00, v7;
	v7 =	vor.u32 v2, v6  }
0x136: {  	v2 =	vor.u32 v3, v8;
	v3 =	vshll.u32 v4, $0x3  }
0x137: {  	v6 =	vshll.u32 v5, $0x3;
	v4 =	vand.u32 $0x7F, v4;
	v3 =	vand.u32 $0xFFFFFC00, v3  }
0x138: {  	v8 =	vand.u32 $0xFFFFFC00, v6;
	v6 =	vor.u32 v4, v3;
	v3 =	vand.u32 $0x7F, v5  }
0x139: {  	v5 =	vor.u32 v3, v8  }
0x13a: {  	v3 =	vld.idx.msk [tilespmem:v7+s28+$0x0], $0xffff  }
0x13b: {  	v8 =	vor.u32 $0x80, v7;
	v4 =	vld.idx.msk [tilespmem:v2+s28+$0x0], $0xffff  }
0x13c: {  	s0 =	sand.u32 $0x3C00, s13;
	v9 =	vor.u32 $0x80, v2  }
0x13d: {  	s23 =	sadd.s32 $0x14C00, s0;
	v10 =	vld.idx.msk [tilespmem:v6+s28+$0x0], $0xffff  }
0x13e: {  	s10 =	sor.u32 s18, s23;
	v11 =	vor.u32 $0x80, v6;
	v12 =	vld.idx.msk [tilespmem:v5+s28+$0x0], $0xffff  }
0x13f: {  	s0 =	sor.u32 s16, s23;
	v13 =	vor.u32 $0x80, v5;
	[tilespmem:s10+$0x0] =	vst v3  }
0x140: {  	[tilespmem:s0+$0x0] =	vst v4;
	v3 =	vld.idx.msk [tilespmem:v8+s28+$0x0], $0xffff  }
0x141: {  	s12 =	sor.u32 s22, s23;
	v4 =	vld.idx.msk [tilespmem:v9+s28+$0x0], $0xffff;
	v8 =	vor.u32 $0x100, v7  }
0x142: {  	s3 =	sor.u32 s8, s23;
	v9 =	vor.u32 $0x100, v2;
	[tilespmem:s12+$0x0] =	vst v10  }
0x143: {  	v10 =	vld.idx.msk [tilespmem:v11+s28+$0x0], $0xffff;
	[tilespmem:s3+$0x0] =	vst v12  }
0x144: {  	v11 =	vor.u32 $0x100, v6;
	v12 =	vld.idx.msk [tilespmem:v13+s28+$0x0], $0xffff  }
0x145: {  	v13 =	vor.u32 $0x100, v5;
	[tilespmem:s10+$0x80] =	vst v3  }
0x146: {  	[tilespmem:s0+$0x80] =	vst v4;
	v3 =	vld.idx.msk [tilespmem:v8+s28+$0x0], $0xffff  }
0x147: {  	v4 =	vld.idx.msk [tilespmem:v9+s28+$0x0], $0xffff;
	v8 =	vor.u32 $0x180, v7  }
0x148: {  	v9 =	vor.u32 $0x180, v2;
	[tilespmem:s12+$0x80] =	vst v10  }
0x149: {  	v10 =	vld.idx.msk [tilespmem:v11+s28+$0x0], $0xffff;
	[tilespmem:s3+$0x80] =	vst v12  }
0x14a: {  	s2 =	simm.s32 $0x40;
	v11 =	vor.u32 $0x180, v6;
	v12 =	vld.idx.msk [tilespmem:v13+s28+$0x0], $0xffff  }
0x14b: {  	s24 =	sand.u32 $0x40, s2;
	v13 =	vld [tilespmem:s2+$0x0];
	[tilespmem:s10+$0x100] =	vst v3  }
0x14c: {  	s25 =	sand.u32 $0x780, s2;
	s11 =	sor.u32 $0x30, s24;
	[tilespmem:s0+$0x100] =	vst v4;
	v3 =	vld.idx.msk [tilespmem:v8+s28+$0x0], $0xffff  }
0x14d: {  	s26 =	sor.u32 s11, s25;
	v4 =	vor.u32 $0x180, v5;
	v8 =	vld.idx.msk [tilespmem:v9+s28+$0x0], $0xffff  }
0x14e: {  	s29 =	sor.u32 $0x10, s24;
	v9 =	vor.u32 $0x200, v7;
	[tilespmem:s12+$0x100] =	vst v10;
	v10 =	vld [tilespmem:s26+$0x0]  }
0x14f: {  	s31 =	sor.u32 $0x20, s24;
	s13 =	sor.u32 s29, s25;
	v11 =	vld.idx.msk [tilespmem:v11+s28+$0x0], $0xffff  }
0x150: {  	s8 =	sor.u32 s31, s25;
	v15 =	vld [tilespmem:s13+$0x0];
	v14 =	vor.u32 $0x200, v6;
	v16 =	vshll.u32 v13, $0x3  }
0x151: {  	v17 =	vld [tilespmem:s8+$0x0];
	[tilespmem:s3+$0x100] =	vst v12;
	v12 =	vor.u32 $0x200, v2;
	v13 =	vand.u32 $0x7F, v13;
	v16 =	vand.u32 $0xFFFFFC00, v16  }
0x152: {  	p1 =	por $0x0, $0x0;
	s8 =	simm.s32 $0x1;
	v18 =	vld.idx.msk [tilespmem:v4+s28+$0x0], $0xffff;
	[tilespmem:s10+$0x180] =	vst v3;
	v3 =	vor.u32 v13, v16  }
0x153: {  	s8 =	simm.s32 @!p1 $0x0;
	v13 =	vor.u32 $0x200, v5;
	v9 =	vld.idx.msk [tilespmem:v9+s28+$0x0], $0xffff;
	v4 =	vshll.u32 v10, $0x3  }
0x154: {  	s8 =	sshll.u32 s8, $0x6;
	v10 =	vand.u32 $0x7F, v10;
	[tilespmem:s12+$0x180] =	vst v11;
	v4 =	vand.u32 $0xFFFFFC00, v4;
	v11 =	vor.u32 $0x280, v7  }
0x155: {  	v16 =	vor.u32 $0x280, v6;
	[tilespmem:s0+$0x180] =	vst v8;
	s0 =	sadd.s32 $0x0, s8;
	v8 =	vld.idx.msk [tilespmem:v14+s28+$0x0], $0xffff;
	v14 =	vshll.u32 v15, $0x3;
	v4 =	vor.u32 v10, v4  }
0x156: {  	s8 =	sadd.s32 $0x30, s0;
	v10 =	vld.idx.msk [tilespmem:v12+s28+$0x0], $0xffff;
	v12 =	vshll.u32 v17, $0x3;
	v15 =	vand.u32 $0x7F, v15;
	v14 =	vand.u32 $0xFFFFFC00, v14  }
0x157: {  	s15 =	sor.u32 $0x200, s8;
	v12 =	vand.u32 $0xFFFFFC00, v12;
	[tilespmem:s3+$0x180] =	vst v18;
	v19 =	vld.idx.msk [tilespmem:v3+s28+$0x0], $0xffff;
	v23 =	vor.u32 v15, v14;
	v14 =	vand.u32 $0x7F, v17  }
0x158: {  	s16 =	sadd.s32 $0x10, s0;
	v13 =	vld.idx.msk [tilespmem:v13+s28+$0x0], $0xffff;
	v12 =	vor.u32 v14, v12;
	[tilespmem:s15+$0x14C00] =	vst v9  }
0x159: {  	s17 =	sor.u32 $0x200, s16;
	v9 =	vor.u32 $0x280, v2;
	v11 =	vld.idx.msk [tilespmem:v11+s28+$0x0], $0xffff  }
0x15a: {  	v14 =	vor.u32 $0x280, v5;
	v15 =	vld.idx.msk [tilespmem:v4+s28+$0x0], $0xffff;
	[tilespmem:s17+$0x14C00] =	vst v8  }
0x15b: {  	s18 =	sor.u32 $0x200, s0;
	s3 =	simm.s32 $0x200;
	s15 =	sadd.s32 $0x20, s0;
	v8 =	vld.idx.msk [tilespmem:v16+s28+$0x0], $0xffff;
	v16 =	vor.u32 $0x300, v7  }
0x15c: {  	v18 =	vor.u32 $0x80, v4;
	s22 =	sand.u32 $0x3C00, s3;
	s21 =	sor.u32 $0x200, s15;
	[tilespmem:s18+$0x14C00] =	vst v10;
	v17 =	vld.idx.msk [tilespmem:v23+s28+$0x0], $0xffff  }
0x15d: {  	s23 =	sor.u32 $0x280, s8;
	s12 =	sadd.s32 $0x14C00, s22;
	v10 =	vor.u32 $0x80, v3;
	[tilespmem:s21+$0x14C00] =	vst v13;
	v20 =	vld.idx.msk [tilespmem:v12+s28+$0x0], $0xffff  }
0x15e: {  	v21 =	vor.u32 $0x80, v23;
	s17 =	sor.u32 s11, s12;
	v24 =	vld.idx.msk [tilespmem:v9+s28+$0x0], $0xffff;
	[tilespmem:s23+$0x14C00] =	vst v11  }
0x15f: {  	v9 =	vor.u32 $0x80, v12;
	v13 =	vld.idx.msk [tilespmem:v14+s28+$0x0], $0xffff;
	s23 =	sor.u32 s24, s12;
	[tilespmem:s17+$0x0] =	vst v15  }
0x160: {  	v11 =	vor.u32 $0x300, v6;
	s24 =	sor.u32 $0x280, s16;
	[tilespmem:s23+$0x0] =	vst v19;
	v14 =	vld.idx.msk [tilespmem:v16+s28+$0x0], $0xffff  }
0x161: {  	s7 =	sor.u32 s29, s12;
	v15 =	vor.u32 $0x300, v5;
	v18 =	vld.idx.msk [tilespmem:v18+s28+$0x0], $0xffff;
	[tilespmem:s24+$0x14C00] =	vst v8  }
0x162: {  	s6 =	sor.u32 s31, s12;
	v7 =	vor.u32 $0x380, v7;
	v10 =	vld.idx.msk [tilespmem:v10+s28+$0x0], $0xffff;
	[tilespmem:s7+$0x0] =	vst v17  }
0x163: {  	s25 =	sor.u32 $0x280, s15;
	v19 =	vor.u32 $0x100, v4;
	v17 =	vld.idx.msk [tilespmem:v21+s28+$0x0], $0xffff;
	[tilespmem:s6+$0x0] =	vst v20  }
0x164: {  	s29 =	sor.u32 $0x280, s0;
	v20 =	vor.u32 $0x100, v3;
	[tilespmem:s25+$0x14C00] =	vst v13;
	v9 =	vld.idx.msk [tilespmem:v9+s28+$0x0], $0xffff  }
0x165: {  	s26 =	sor.u32 $0x300, s8;
	v8 =	vor.u32 $0x100, v23;
	[tilespmem:s29+$0x14C00] =	vst v24;
	v25 =	vld.idx.msk [tilespmem:v11+s28+$0x0], $0xffff  }
0x166: {  	v22 =	vor.u32 $0x100, v12;
	v16 =	vld.idx.msk [tilespmem:v15+s28+$0x0], $0xffff;
	[tilespmem:s26+$0x14C00] =	vst v14  }
0x167: {  	[tilespmem:s17+$0x80] =	vst v18;
	v18 =	vor.u32 $0x300, v2;
	v26 =	vld.idx.msk [tilespmem:v7+s28+$0x0], $0xffff  }
0x168: {  	v27 =	vor.u32 $0x380, v6;
	[tilespmem:s23+$0x80] =	vst v10;
	v21 =	vld.idx.msk [tilespmem:v19+s28+$0x0], $0xffff  }
0x169: {  	v6 =	vor.u32 $0x380, v23;
	v19 =	vld.idx.msk [tilespmem:v20+s28+$0x0], $0xffff;
	[tilespmem:s7+$0x80] =	vst v17  }
0x16a: {  	v13 =	vor.u32 $0x200, v23;
	v24 =	vor.u32 $0x180, v4;
	v15 =	vor.u32 $0x180, v23;
	v20 =	vld.idx.msk [tilespmem:v8+s28+$0x0], $0xffff;
	[tilespmem:s6+$0x80] =	vst v9  }
0x16b: {  	s8 =	sor.u32 $0x380, s8;
	s22 =	simm.s32 $0x4;
	s31 =	sor.u32 $0x300, s16;
	v10 =	vor.u32 $0x280, v23;
	v8 =	vor.u32 $0x300, v23;
	v23 =	vor.u32 $0x180, v3;
	v22 =	vld.idx.msk [tilespmem:v22+s28+$0x0], $0xffff  }
0x16c: {  	s18 =	sor.u32 $0x380, s0;
	s21 =	sor.u32 $0x380, s15;
	v5 =	vor.u32 $0x380, v5;
	s24 =	sor.u32 $0x380, s16;
	v11 =	vor.u32 $0x200, v12;
	v14 =	vor.u32 $0x180, v12;
	[tilespmem:s31+$0x14C00] =	vst v25;
	v17 =	vld.idx.msk [tilespmem:v18+s28+$0x0], $0xffff  }
0x16d: {  	s25 =	sor.u32 $0x300, s15;
	s15 =	simm.s32 $0x80;
	s26 =	sor.u32 $0x300, s0;
	v7 =	vor.u32 $0x300, v12;
	v9 =	vor.u32 $0x280, v12;
	v12 =	vor.u32 $0x380, v12;
	v18 =	vld.idx.msk [tilespmem:v27+s28+$0x0], $0xffff;
	[tilespmem:s8+$0x14C00] =	vst v26  }
.LBB2_5:
0x16e: {  	v25 =	vld [tilespmem:s15+$0x0];
	[tilespmem:s17+$0x100] =	vst v21;
	s2 =	sadd.s32 $0x40, s2  }
0x16f: {  	s22 =	sadd.s32 $0x4, s22;
	s29 =	sand.u32 $0x40, s2;
	[tilespmem:s23+$0x100] =	vst v19;
	v19 =	vld.idx.msk [tilespmem:v24+s28+$0x0], $0xffff  }
0x170: {  	s8 =	sand.u32 $0x780, s2;
	p2 =	slt.u32 s22, $0x7C;
	s0 =	sor.u32 $0x30, s29;
	v21 =	vld.idx.msk [tilespmem:v23+s28+$0x0], $0xffff;
	[tilespmem:s7+$0x100] =	vst v20  }
0x171: {  	s31 =	sor.u32 $0x10, s29;
	s16 =	sor.u32 $0x20, s29;
	v20 =	vor.u32 $0x200, v4;
	s9 =	sor.u32 s0, s8;
	v15 =	vld.idx.msk [tilespmem:v15+s28+$0x0], $0xffff;
	[tilespmem:s6+$0x100] =	vst v22  }
0x172: {  	v23 =	vor.u32 $0x200, v3;
	s10 =	sor.u32 s31, s8;
	s8 =	sor.u32 s16, s8;
	v22 =	vld [tilespmem:s9+$0x0];
	[tilespmem:s25+$0x14C00] =	vst v16  }
0x173: {  	v16 =	vld [tilespmem:s10+$0x0];
	[tilespmem:s26+$0x14C00] =	vst v17  }
0x174: {  	v17 =	vshll.u32 v25, $0x3;
	v24 =	vld [tilespmem:s8+$0x0];
	[tilespmem:s24+$0x14C00] =	vst v18  }
0x175: {  	v18 =	vand.u32 $0x7F, v25;
	v17 =	vand.u32 $0xFFFFFC00, v17;
	v14 =	vld.idx.msk [tilespmem:v14+s28+$0x0], $0xffff;
	[tilespmem:s17+$0x180] =	vst v19;
	v19 =	vor.u32 $0x380, v2;
	v2 =	vmovc v3  }
0x176: {  	p1 =	por !p1, !p1;
	s8 =	simm.s32 $0x1;
	v3 =	vor.u32 v18, v17;
	[tilespmem:s23+$0x180] =	vst v21;
	v17 =	vld.idx.msk [tilespmem:v20+s28+$0x0], $0xffff  }
0x177: {  	s8 =	simm.s32 @!p1 $0x0;
	v18 =	vshll.u32 v22, $0x3;
	v20 =	vld.idx.msk [tilespmem:v23+s28+$0x0], $0xffff;
	[tilespmem:s7+$0x180] =	vst v15  }
0x178: {  	v15 =	vand.u32 $0x7F, v22;
	s7 =	sshll.u32 s8, $0x6;
	v18 =	vand.u32 $0xFFFFFC00, v18;
	v21 =	vld.idx.msk [tilespmem:v13+s28+$0x0], $0xffff;
	v13 =	vor.u32 $0x280, v4  }
0x179: {  	v22 =	vshll.u32 v16, $0x3;
	s7 =	sadd.s32 s7, s3;
	v23 =	vshll.u32 v24, $0x3;
	v18 =	vor.u32 v15, v18;
	v25 =	vld.idx.msk [tilespmem:v5+s28+$0x0], $0xffff;
	v5 =	vmovc v12  }
0x17a: {  	v12 =	vand.u32 $0x7F, v16;
	v15 =	vand.u32 $0xFFFFFC00, v22;
	s13 =	sadd.s32 $0x10, s7;
	s17 =	sadd.s32 $0x20, s7;
	s8 =	sadd.s32 $0x30, s7;
	v16 =	vand.u32 $0xFFFFFC00, v23;
	v19 =	vld.idx.msk [tilespmem:v19+s28+$0x0], $0xffff  }
0x17b: {  	v12 =	vor.u32 v12, v15;
	v15 =	vand.u32 $0x7F, v24;
	v23 =	vor.u32 $0x280, v2;
	s23 =	sor.u32 $0x200, s13;
	s9 =	sor.u32 $0x200, s8;
	v22 =	vld.idx.msk [tilespmem:v3+s28+$0x0], $0xffff;
	[tilespmem:s6+$0x180] =	vst v14;
	s6 =	sor.u32 $0x200, s17  }
0x17c: {  	s10 =	sor.u32 $0x200, s7;
	s12 =	sor.u32 $0x280, s13;
	s11 =	sor.u32 $0x280, s17;
	v24 =	vor.u32 $0x80, v12;
	v26 =	vor.u32 $0x100, v12;
	v16 =	vor.u32 v15, v16;
	v27 =	vld.idx.msk [tilespmem:v11+s28+$0x0], $0xffff;
	[tilespmem:s9+$0x14C00] =	vst v17  }
0x17d: {  	s25 =	sor.u32 $0x300, s17;
	v15 =	vor.u32 $0x180, v12;
	v17 =	vor.u32 $0x80, v16;
	v28 =	vor.u32 $0x100, v16;
	s9 =	sor.u32 $0x300, s13;
	[tilespmem:s10+$0x14C00] =	vst v20;
	s10 =	sor.u32 $0x280, s7;
	v20 =	vld.idx.msk [tilespmem:v13+s28+$0x0], $0xffff  }
0x17e: {  	s26 =	sor.u32 $0x300, s7;
	s24 =	sor.u32 $0x380, s13;
	v14 =	vor.u32 $0x180, v16;
	v11 =	vor.u32 $0x200, v16;
	s13 =	sor.u32 $0x380, s17;
	v13 =	vor.u32 $0x200, v12;
	v29 =	vld.idx.msk [tilespmem:v18+s28+$0x0], $0xffff;
	[tilespmem:s23+$0x14C00] =	vst v21  }
0x17f: {  	v31 =	vor.u32 $0x300, v4;
	s7 =	sor.u32 $0x380, s7;
	v21 =	vor.u32 $0x280, v16;
	v30 =	vld.idx.msk [tilespmem:v10+s28+$0x0], $0xffff;
	v10 =	vor.u32 $0x280, v12;
	[tilespmem:s21+$0x14C00] =	vst v25;
	s21 =	smov.u32 s13  }
0x180: {  	s3 =	sadd.s32 $0x200, s3;
	v34 =	vor.u32 $0x80, v18;
	v32 =	vor.u32 $0x300, v12;
	v33 =	vor.u32 $0x300, v16;
	v25 =	vld.idx.msk [tilespmem:v12+s28+$0x0], $0xffff;
	[tilespmem:s18+$0x14C00] =	vst v19;
	s18 =	smov.u32 s7  }
0x181: {  	v35 =	vor.u32 $0x380, v12;
	s7 =	sand.u32 $0x3C00, s3;
	v19 =	vor.u32 $0x80, v3;
	v12 =	vor.u32 $0x380, v16;
	v36 =	vld.idx.msk [tilespmem:v16+s28+$0x0], $0xffff  }
0x182: {  	s13 =	sadd.s32 $0x14C00, s7;
	v37 =	vld.idx.msk [tilespmem:v23+s28+$0x0], $0xffff;
	[tilespmem:s6+$0x14C00] =	vst v27;
	s6 =	sor.u32 $0x280, s8  }
0x183: {  	s23 =	sor.u32 s29, s13;
	s7 =	sor.u32 s31, s13;
	s17 =	sor.u32 s0, s13;
	v16 =	vld.idx.msk [tilespmem:v9+s28+$0x0], $0xffff;
	[tilespmem:s6+$0x14C00] =	vst v20;
	v9 =	vmov v21  }
0x184: {  	s6 =	sor.u32 s16, s13;
	[tilespmem:s17+$0x0] =	vst v29;
	v20 =	vld.idx.msk [tilespmem:v31+s28+$0x0], $0xffff  }
0x185: {  	[tilespmem:s23+$0x0] =	vst v22;
	v21 =	vld.idx.msk [tilespmem:v34+s28+$0x0], $0xffff  }
0x186: {  	v22 =	vor.u32 $0x380, v4;
	v4 =	vmov v18;
	v19 =	vld.idx.msk [tilespmem:v19+s28+$0x0], $0xffff;
	[tilespmem:s7+$0x0] =	vst v25  }
0x187: {  	v23 =	vor.u32 $0x100, v4;
	v18 =	vld.idx.msk [tilespmem:v24+s28+$0x0], $0xffff;
	[tilespmem:s6+$0x0] =	vst v36  }
0x188: {  	v24 =	vor.u32 $0x100, v3;
	v17 =	vld.idx.msk [tilespmem:v17+s28+$0x0], $0xffff;
	[tilespmem:s12+$0x14C00] =	vst v30  }
0x189: {  	s0 =	sor.u32 $0x300, s8;
	v25 =	vld.idx.msk [tilespmem:v8+s28+$0x0], $0xffff;
	[tilespmem:s11+$0x14C00] =	vst v16;
	v8 =	vmov v32  }
0x18a: {  	v16 =	vld.idx.msk [tilespmem:v7+s28+$0x0], $0xffff;
	[tilespmem:s0+$0x14C00] =	vst v20;
	v7 =	vmov v33  }
0x18b: {  	v27 =	vor.u32 $0x300, v2;
	[tilespmem:s17+$0x80] =	vst v21;
	v29 =	vld.idx.msk [tilespmem:v22+s28+$0x0], $0xffff  }
0x18c: {  	[tilespmem:s23+$0x80] =	vst v19;
	v21 =	vld.idx.msk [tilespmem:v23+s28+$0x0], $0xffff  }
.Ltmp3:
0x18d: {  	v19 =	vld.idx.msk [tilespmem:v24+s28+$0x0], $0xffff;
	[tilespmem:s7+$0x80] =	vst v18;
	(pc) =	sbr.rel @p2 .LBB2_5-.Ltmp3, $4  }
0x18e: {  	v24 =	vor.u32 $0x180, v4;
	v20 =	vld.idx.msk [tilespmem:v26+s28+$0x0], $0xffff;
	[tilespmem:s6+$0x80] =	vst v17  }
0x18f: {  	v23 =	vor.u32 $0x180, v3;
	v22 =	vld.idx.msk [tilespmem:v28+s28+$0x0], $0xffff;
	[tilespmem:s10+$0x14C00] =	vst v37  }
0x190: {  	s0 =	sor.u32 $0x380, s8;
	v17 =	vld.idx.msk [tilespmem:v27+s28+$0x0], $0xffff;
	[tilespmem:s9+$0x14C00] =	vst v25  }
0x191: {  	s15 =	sadd.s32 $0x40, s15;
	v18 =	vld.idx.msk [tilespmem:v6+s28+$0x0], $0xffff;
	[tilespmem:s0+$0x14C00] =	vst v29;
	v6 =	vmov v35  }
0x192: {  	_ =	sdelay $0x2  }
0x193: {  	[tilespmem:s17+$0x100] =	vst v21  }
0x194: {  	v21 =	vld.idx.msk [tilespmem:v24+s28+$0x0], $0xffff  }
0x195: {  	[tilespmem:s7+$0x100] =	vst v20;
	v20 =	vor.u32 $0x200, v4  }
0x196: {  	v15 =	vld.idx.msk [tilespmem:v15+s28+$0x0], $0xffff  }
0x197: {  	[tilespmem:s23+$0x100] =	vst v19  }
0x198: {  	v19 =	vld.idx.msk [tilespmem:v23+s28+$0x0], $0xffff;
	[tilespmem:s6+$0x100] =	vst v22  }
0x199: {  	p1 =	por !p1, !p1;
	s0 =	simm.s32 $0x1;
	v22 =	vor.u32 $0x200, v3;
	v14 =	vld.idx.msk [tilespmem:v14+s28+$0x0], $0xffff;
	[tilespmem:s17+$0x180] =	vst v21  }
0x19a: {  	s0 =	simm.s32 @!p1 $0x0;
	v20 =	vld.idx.msk [tilespmem:v20+s28+$0x0], $0xffff  }
0x19b: {  	s0 =	sshll.u32 s0, $0x6;
	[tilespmem:s7+$0x180] =	vst v15;
	v15 =	vor.u32 $0x280, v4  }
0x19c: {  	s0 =	sadd.s32 s0, s3;
	v13 =	vld.idx.msk [tilespmem:v13+s28+$0x0], $0xffff  }
0x19d: {  	s2 =	sadd.s32 $0x30, s0;
	[tilespmem:s23+$0x180] =	vst v19  }
0x19e: {  	s12 =	sor.u32 $0x200, s2;
	[tilespmem:s6+$0x180] =	vst v14;
	v14 =	vld.idx.msk [tilespmem:v22+s28+$0x0], $0xffff  }
0x19f: {  	s3 =	sadd.s32 $0x10, s0;
	v19 =	vor.u32 $0x280, v3;
	v11 =	vld.idx.msk [tilespmem:v11+s28+$0x0], $0xffff;
	[tilespmem:s12+$0x14C00] =	vst v20  }
0x1a0: {  	s8 =	sor.u32 $0x200, s3;
	v15 =	vld.idx.msk [tilespmem:v15+s28+$0x0], $0xffff  }
0x1a1: {  	[tilespmem:s8+$0x14C00] =	vst v13;
	v13 =	vor.u32 $0x300, v4  }
0x1a2: {  	[tilespmem:s25+$0x14C00] =	vst v16;
	s13 =	sadd.s32 $0x20, s0;
	s16 =	sor.u32 $0x200, s0  }
0x1a3: {  	v2 =	vor.u32 $0x380, v2;
	s15 =	sor.u32 $0x200, s13;
	[tilespmem:s16+$0x14C00] =	vst v14;
	v10 =	vld.idx.msk [tilespmem:v10+s28+$0x0], $0xffff  }
0x1a4: {  	s17 =	sor.u32 $0x280, s2;
	[tilespmem:s15+$0x14C00] =	vst v11;
	v11 =	vld.idx.msk [tilespmem:v19+s28+$0x0], $0xffff  }
0x1a5: {  	v14 =	vor.u32 $0x300, v3;
	v9 =	vld.idx.msk [tilespmem:v9+s28+$0x0], $0xffff;
	[tilespmem:s17+$0x14C00] =	vst v15  }
0x1a6: {  	[tilespmem:s26+$0x14C00] =	vst v17;
	v13 =	vld.idx.msk [tilespmem:v13+s28+$0x0], $0xffff  }
0x1a7: {  	v5 =	vld.idx.msk [tilespmem:v5+s28+$0x0], $0xffff;
	[tilespmem:s24+$0x14C00] =	vst v18;
	s22 =	sor.u32 $0x280, s3;
	v4 =	vor.u32 $0x380, v4  }
0x1a8: {  	s25 =	sor.u32 $0x280, s0;
	v2 =	vld.idx.msk [tilespmem:v2+s28+$0x0], $0xffff;
	[tilespmem:s22+$0x14C00] =	vst v10  }
0x1a9: {  	s23 =	sor.u32 $0x280, s13;
	[tilespmem:s25+$0x14C00] =	vst v11;
	v8 =	vld.idx.msk [tilespmem:v8+s28+$0x0], $0xffff  }
0x1aa: {  	s26 =	sor.u32 $0x300, s2;
	[tilespmem:s23+$0x14C00] =	vst v9;
	v9 =	vld.idx.msk [tilespmem:v14+s28+$0x0], $0xffff  }
0x1ab: {  	v3 =	vor.u32 $0x380, v3;
	v7 =	vld.idx.msk [tilespmem:v7+s28+$0x0], $0xffff;
	[tilespmem:s26+$0x14C00] =	vst v13  }
0x1ac: {  	[tilespmem:s21+$0x14C00] =	vst v5;
	v4 =	vld.idx.msk [tilespmem:v4+s28+$0x0], $0xffff  }
0x1ad: {  	s31 =	sor.u32 $0x300, s3;
	[tilespmem:s18+$0x14C00] =	vst v2  }
0x1ae: {  	s10 =	sor.u32 $0x300, s0;
	[tilespmem:s31+$0x14C00] =	vst v8  }
0x1af: {  	s9 =	sor.u32 $0x300, s13;
	[tilespmem:s10+$0x14C00] =	vst v9;
	v6 =	vld.idx.msk [tilespmem:v6+s28+$0x0], $0xffff  }
0x1b0: {  	s2 =	sor.u32 $0x380, s2;
	[tilespmem:s9+$0x14C00] =	vst v7;
	v3 =	vld.idx.msk [tilespmem:v3+s28+$0x0], $0xffff  }
0x1b1: {  	v7 =	vld.idx.msk [tilespmem:v12+s28+$0x0], $0xffff;
	[tilespmem:s2+$0x14C00] =	vst v4  }
0x1b2: {  	s11 =	sshll.u32 s4, $0x5;
	s2 =	rddreg [dreg:$0x5]  }
0x1b3: {  	s0 =	sor.u32 $0x380, s0;
	s3 =	sor.u32 $0x380, s3;
	s2 =	sadd.s32 s11, s2  }
0x1b4: {  	s12 =	sor.u32 $0x380, s13;
	s13 =	rddreg [dreg:$0x3];
	[tilespmem:s3+$0x14C00] =	vst v6;
	s2 =	sshll.u32 s2, $0x8  }
0x1b5: {  	[tilespmem:s0+$0x14C00] =	vst v3;
	s2 =	sadd.s32 s13, s2  }
0x1b6: {  	s16 =	simm.s32 $0x14C00;
	[tilespmem:s12+$0x14C00] =	vst v7;
	s15 =	sadd.s32 $0x800, s2  }
0x1b7: {  	[hbm4b:s15+s5] =	stream.linear.scatter [tilespmem:s16], [sflag:$0x6], $0x4000, $0x38;
	[tilespmem:$0x18C00] =	vst v63  }
0x1b8: {  	v2 =	vld.msk @!p0 [tilespmem:s1+$0x828], $0xff;
	_ =	sdelay $0x4  }
0x1b9: {  	v3 =	vshll.u32 @!p0 v2, $0x4  }
0x1ba: {  	v4 =	vlaneseq.u32 @!p0;
	v2 =	vand.u32 @!p0 $0x7, v2;
	v3 =	vand.u32 @!p0 $0xFFFFFF80, v3  }
0x1bb: {  	v2 =	vor.u32 @!p0 v2, v3;
	v3 =	vand.u32 @!p0 $0x7, v4;
	v4 =	vshrl.u32 @!p0 v4, $0x3  }
0x1bc: {  	v2 =	vperm.xlane @!p0 v2, v3;
	v3 =	vmul.u32 @!p0 $0x8, v4;
	_ =	sdelay $0x1  }
0x1bd: {  	v2 =	vadd.s32 @!p0 v3, v2;
	_ =	sdelay $0x3  }
0x1be: {  	s0 =	simm.s32 @!p0 $0x0;
	s3 =	simm.s32 @!p0 $0x4C00  }
0x1bf: {  	[tilespmem:s3], [sflag:$0x2] =	stream.indirect_vreg.gather @!p0 [hbm4b:s14+s0], $0x80, v2, vm1, $0xb8;
	[tilespmem:$0x18C00] =	vst v63  }
0x1c0: {  	s6 =	rddreg [dreg:$0x7];
	s3 =	simm.s32 @!p0 $0x5400  }
0x1c1: {  	[tilespmem:s3], [sflag:$0x2] =	stream.indirect_vreg.gather @!p0 [hbm4b:s6+s0], $0x80, v2, vm1, $0xb8;
	[tilespmem:$0x18C00] =	vst v63  }
0x1c2: {  	s3 =	simm.s32 @!p0 $0x5C00;
	s6 =	rddreg [dreg:$0x8]  }
0x1c3: {  	[tilespmem:s3], [sflag:$0x2] =	stream.indirect_vreg.gather @!p0 [hbm4b:s6+s0], $0x80, v2, vm1, $0xb8;
	[tilespmem:$0x18C00] =	vst v63  }
0x1c4: {  	s3 =	simm.s32 @!p0 $0x6400;
	s6 =	rddreg [dreg:$0x9]  }
0x1c5: {  	[tilespmem:s3], [sflag:$0x2] =	stream.indirect_vreg.gather @!p0 [hbm4b:s6+s0], $0x80, v2, vm1, $0xb8;
	[tilespmem:$0x18C00] =	vst v63  }
0x1c6: {  	s3 =	simm.s32 @!p0 $0x6C00;
	s6 =	rddreg [dreg:$0xa]  }
0x1c7: {  	[tilespmem:s3], [sflag:$0x2] =	stream.indirect_vreg.gather @!p0 [hbm4b:s6+s0], $0x80, v2, vm1, $0xb8;
	[tilespmem:$0x18C00] =	vst v63  }
0x1c8: {  	s3 =	simm.s32 @!p0 $0x7400;
	s6 =	rddreg [dreg:$0xb]  }
0x1c9: {  	[tilespmem:s3], [sflag:$0x2] =	stream.indirect_vreg.gather @!p0 [hbm4b:s6+s0], $0x80, v2, vm1, $0xb8;
	[tilespmem:$0x18C00] =	vst v63  }
0x1ca: {  	s3 =	simm.s32 @!p0 $0x7C00;
	s6 =	rddreg [dreg:$0xc]  }
0x1cb: {  	[tilespmem:s3], [sflag:$0x2] =	stream.indirect_vreg.gather @!p0 [hbm4b:s6+s0], $0x80, v2, vm1, $0xb8;
	[tilespmem:$0x18C00] =	vst v63  }
0x1cc: {  	s17 =	simm.s32 $0x5;
	s3 =	simm.s32 @!p0 $0x8400;
	s6 =	rddreg [dreg:$0xd]  }
0x1cd: {  	[tilespmem:s3], [sflag:$0x2] =	stream.indirect_vreg.gather @!p0 [hbm4b:s6+s0], $0x80, v2, vm1, $0xb8;
	[tilespmem:$0x18C00] =	vst v63  }
0x1ce: {  	_ =	swait.ge [sflag:s17], $0x4000  }
0x1cf: {  	[sflag:s17] =	ssyncset.done $0x0  }
0x1d0: {  	s21 =	simm.s32 $0x3;
	s18 =	simm.s32 $0x0;
	[sflag:s17] =	ssyncadd.s32 $0xFFFFC000  }
0x1d1: {  	s22 =	sand.u32 $0x40, s18;
	_ =	swait.ge [sflag:s21], $0x4000  }
0x1d2: {  	s23 =	sand.u32 $0x780, s18;
	s24 =	sor.u32 $0x30, s22;
	[sflag:s21] =	ssyncset.done $0x0  }
0x1d3: {  	s25 =	sor.u32 s24, s23;
	[sflag:s21] =	ssyncadd.s32 $0xFFFFC000  }
0x1d4: {  	v2 =	vld [tilespmem:s25+$0x0]  }
0x1d5: {  	s26 =	sor.u32 $0x10, s22;
	v3 =	vld [tilespmem:s18+$0x0]  }
0x1d6: {  	s10 =	sor.u32 s26, s23;
	s9 =	sor.u32 $0x20, s22  }
0x1d7: {  	s6 =	sor.u32 s9, s23;
	v4 =	vld [tilespmem:s10+$0x0]  }
0x1d8: {  	v5 =	vld [tilespmem:s6+$0x0]  }
0x1d9: {  	v6 =	vshll.u32 v2, $0x3  }
0x1da: {  	v7 =	vshll.u32 v3, $0x3;
	v2 =	vand.u32 $0x7F, v2;
	v6 =	vand.u32 $0xFFFFFC00, v6  }
0x1db: {  	v3 =	vand.u32 $0x7F, v3;
	v8 =	vand.u32 $0xFFFFFC00, v7;
	v7 =	vor.u32 v2, v6  }
0x1dc: {  	v2 =	vor.u32 v3, v8;
	v3 =	vshll.u32 v4, $0x3  }
0x1dd: {  	v6 =	vshll.u32 v5, $0x3;
	v4 =	vand.u32 $0x7F, v4;
	v3 =	vand.u32 $0xFFFFFC00, v3  }
0x1de: {  	v8 =	vand.u32 $0xFFFFFC00, v6;
	v6 =	vor.u32 v4, v3;
	v3 =	vand.u32 $0x7F, v5  }
0x1df: {  	v5 =	vor.u32 v3, v8  }
0x1e0: {  	v3 =	vld.idx.msk [tilespmem:v7+s20+$0x0], $0xffff  }
0x1e1: {  	v8 =	vor.u32 $0x80, v7;
	v4 =	vld.idx.msk [tilespmem:v2+s20+$0x0], $0xffff  }
0x1e2: {  	s0 =	sand.u32 $0x3C00, s18;
	v9 =	vor.u32 $0x80, v2  }
0x1e3: {  	s31 =	sadd.s32 $0x10C00, s0;
	v10 =	vld.idx.msk [tilespmem:v6+s20+$0x0], $0xffff  }
0x1e4: {  	s12 =	sor.u32 s24, s31;
	v11 =	vor.u32 $0x80, v6;
	v12 =	vld.idx.msk [tilespmem:v5+s20+$0x0], $0xffff  }
0x1e5: {  	s0 =	sor.u32 s22, s31;
	v13 =	vor.u32 $0x80, v5;
	[tilespmem:s12+$0x0] =	vst v3  }
0x1e6: {  	[tilespmem:s0+$0x0] =	vst v4;
	v3 =	vld.idx.msk [tilespmem:v8+s20+$0x0], $0xffff  }
0x1e7: {  	s8 =	sor.u32 s26, s31;
	v4 =	vld.idx.msk [tilespmem:v9+s20+$0x0], $0xffff;
	v8 =	vor.u32 $0x100, v7  }
0x1e8: {  	s9 =	sor.u32 s9, s31;
	v9 =	vor.u32 $0x100, v2;
	[tilespmem:s8+$0x0] =	vst v10  }
0x1e9: {  	v10 =	vld.idx.msk [tilespmem:v11+s20+$0x0], $0xffff;
	[tilespmem:s9+$0x0] =	vst v12  }
0x1ea: {  	v11 =	vor.u32 $0x100, v6;
	v12 =	vld.idx.msk [tilespmem:v13+s20+$0x0], $0xffff  }
0x1eb: {  	v13 =	vor.u32 $0x100, v5;
	[tilespmem:s12+$0x80] =	vst v3  }
0x1ec: {  	[tilespmem:s0+$0x80] =	vst v4;
	v3 =	vld.idx.msk [tilespmem:v8+s20+$0x0], $0xffff  }
0x1ed: {  	v4 =	vld.idx.msk [tilespmem:v9+s20+$0x0], $0xffff;
	v8 =	vor.u32 $0x180, v7  }
0x1ee: {  	v9 =	vor.u32 $0x180, v2;
	[tilespmem:s8+$0x80] =	vst v10  }
0x1ef: {  	v10 =	vld.idx.msk [tilespmem:v11+s20+$0x0], $0xffff;
	[tilespmem:s9+$0x80] =	vst v12  }
0x1f0: {  	s3 =	simm.s32 $0x40;
	v11 =	vor.u32 $0x180, v6;
	v12 =	vld.idx.msk [tilespmem:v13+s20+$0x0], $0xffff  }
0x1f1: {  	s7 =	sand.u32 $0x40, s3;
	v13 =	vld [tilespmem:s3+$0x0];
	[tilespmem:s12+$0x100] =	vst v3  }
0x1f2: {  	s13 =	sand.u32 $0x780, s3;
	s11 =	sor.u32 $0x30, s7;
	[tilespmem:s0+$0x100] =	vst v4;
	v3 =	vld.idx.msk [tilespmem:v8+s20+$0x0], $0xffff  }
0x1f3: {  	s22 =	sor.u32 s11, s13;
	v4 =	vor.u32 $0x180, v5;
	v8 =	vld.idx.msk [tilespmem:v9+s20+$0x0], $0xffff  }
0x1f4: {  	s23 =	sor.u32 $0x10, s7;
	v9 =	vor.u32 $0x200, v7;
	[tilespmem:s8+$0x100] =	vst v10;
	v10 =	vld [tilespmem:s22+$0x0]  }
0x1f5: {  	s24 =	sor.u32 $0x20, s7;
	s15 =	sor.u32 s23, s13;
	v11 =	vld.idx.msk [tilespmem:v11+s20+$0x0], $0xffff  }
0x1f6: {  	s13 =	sor.u32 s24, s13;
	v15 =	vld [tilespmem:s15+$0x0];
	v14 =	vor.u32 $0x200, v6;
	v16 =	vshll.u32 v13, $0x3  }
0x1f7: {  	v17 =	vld [tilespmem:s13+$0x0];
	[tilespmem:s9+$0x100] =	vst v12;
	v12 =	vor.u32 $0x200, v2;
	v13 =	vand.u32 $0x7F, v13;
	v16 =	vand.u32 $0xFFFFFC00, v16  }
0x1f8: {  	p1 =	por $0x0, $0x0;
	v18 =	vld.idx.msk [tilespmem:v4+s20+$0x0], $0xffff;
	[tilespmem:s12+$0x180] =	vst v3;
	v3 =	vor.u32 v13, v16;
	s12 =	simm.s32 $0x1  }
0x1f9: {  	v13 =	vor.u32 $0x200, v5;
	v9 =	vld.idx.msk [tilespmem:v9+s20+$0x0], $0xffff;
	v4 =	vshll.u32 v10, $0x3;
	s12 =	simm.s32 @!p1 $0x0  }
0x1fa: {  	v10 =	vand.u32 $0x7F, v10;
	[tilespmem:s8+$0x180] =	vst v11;
	v4 =	vand.u32 $0xFFFFFC00, v4;
	s26 =	sshll.u32 s12, $0x6;
	v11 =	vor.u32 $0x280, v7  }
0x1fb: {  	v16 =	vor.u32 $0x280, v6;
	[tilespmem:s0+$0x180] =	vst v8;
	v8 =	vld.idx.msk [tilespmem:v14+s20+$0x0], $0xffff;
	v14 =	vshll.u32 v15, $0x3;
	v4 =	vor.u32 v10, v4;
	s0 =	sadd.s32 $0x0, s26  }
0x1fc: {  	v10 =	vld.idx.msk [tilespmem:v12+s20+$0x0], $0xffff;
	v12 =	vshll.u32 v17, $0x3;
	v15 =	vand.u32 $0x7F, v15;
	v14 =	vand.u32 $0xFFFFFC00, v14;
	s8 =	sadd.s32 $0x30, s0  }
0x1fd: {  	v12 =	vand.u32 $0xFFFFFC00, v12;
	[tilespmem:s9+$0x180] =	vst v18;
	v19 =	vld.idx.msk [tilespmem:v3+s20+$0x0], $0xffff;
	v23 =	vor.u32 v15, v14;
	v14 =	vand.u32 $0x7F, v17;
	s31 =	sor.u32 $0x200, s8  }
0x1fe: {  	s9 =	sadd.s32 $0x10, s0;
	v13 =	vld.idx.msk [tilespmem:v13+s20+$0x0], $0xffff;
	v12 =	vor.u32 v14, v12;
	[tilespmem:s31+$0x10C00] =	vst v9  }
0x1ff: {  	s13 =	sor.u32 $0x200, s9;
	v9 =	vor.u32 $0x280, v2;
	v11 =	vld.idx.msk [tilespmem:v11+s20+$0x0], $0xffff  }
0x200: {  	s18 =	simm.s32 $0x200;
	s14 =	sor.u32 $0x200, s0;
	v14 =	vor.u32 $0x280, v5;
	v15 =	vld.idx.msk [tilespmem:v4+s20+$0x0], $0xffff;
	[tilespmem:s13+$0x10C00] =	vst v8  }
0x201: {  	s17 =	sand.u32 $0x3C00, s18;
	s16 =	sadd.s32 $0x20, s0;
	[tilespmem:s14+$0x10C00] =	vst v10;
	v10 =	vor.u32 $0x80, v3;
	v8 =	vld.idx.msk [tilespmem:v16+s20+$0x0], $0xffff  }
0x202: {  	s12 =	sadd.s32 $0x10C00, s17;
	s15 =	sor.u32 $0x200, s16;
	v16 =	vor.u32 $0x300, v7;
	v17 =	vld.idx.msk [tilespmem:v23+s20+$0x0], $0xffff  }
0x203: {  	s25 =	sor.u32 s7, s12;
	v18 =	vor.u32 $0x80, v4;
	[tilespmem:s15+$0x10C00] =	vst v13;
	v20 =	vld.idx.msk [tilespmem:v12+s20+$0x0], $0xffff  }
0x204: {  	s21 =	sor.u32 $0x280, s8;
	v21 =	vor.u32 $0x80, v23;
	[tilespmem:s25+$0x0] =	vst v19;
	v9 =	vld.idx.msk [tilespmem:v9+s20+$0x0], $0xffff  }
0x205: {  	s29 =	sor.u32 s11, s12;
	v13 =	vor.u32 $0x80, v12;
	v14 =	vld.idx.msk [tilespmem:v14+s20+$0x0], $0xffff;
	[tilespmem:s21+$0x10C00] =	vst v11  }
0x206: {  	s22 =	sor.u32 $0x280, s9;
	v11 =	vor.u32 $0x300, v6;
	[tilespmem:s29+$0x0] =	vst v15;
	v10 =	vld.idx.msk [tilespmem:v10+s20+$0x0], $0xffff  }
0x207: {  	s17 =	sor.u32 s23, s12;
	v15 =	vld.idx.msk [tilespmem:v16+s20+$0x0], $0xffff;
	v16 =	vor.u32 $0x300, v5;
	[tilespmem:s22+$0x10C00] =	vst v8  }
0x208: {  	v7 =	vor.u32 $0x380, v7;
	s15 =	sor.u32 s24, s12;
	v18 =	vld.idx.msk [tilespmem:v18+s20+$0x0], $0xffff;
	[tilespmem:s17+$0x0] =	vst v17  }
0x209: {  	s23 =	sor.u32 $0x280, s16;
	v19 =	vor.u32 $0x100, v4;
	v17 =	vld.idx.msk [tilespmem:v21+s20+$0x0], $0xffff;
	[tilespmem:s15+$0x0] =	vst v20  }
0x20a: {  	v20 =	vor.u32 $0x100, v3;
	[tilespmem:s23+$0x10C00] =	vst v14;
	v22 =	vld.idx.msk [tilespmem:v13+s20+$0x0], $0xffff  }
0x20b: {  	s24 =	sor.u32 $0x300, s8;
	v8 =	vor.u32 $0x100, v23;
	v24 =	vld.idx.msk [tilespmem:v11+s20+$0x0], $0xffff;
	[tilespmem:s25+$0x80] =	vst v10  }
0x20c: {  	v25 =	vor.u32 $0x100, v12;
	v16 =	vld.idx.msk [tilespmem:v16+s20+$0x0], $0xffff;
	[tilespmem:s24+$0x10C00] =	vst v15  }
0x20d: {  	[tilespmem:s29+$0x80] =	vst v18;
	v18 =	vor.u32 $0x300, v2;
	v26 =	vld.idx.msk [tilespmem:v7+s20+$0x0], $0xffff  }
0x20e: {  	v27 =	vor.u32 $0x380, v6;
	v21 =	vld.idx.msk [tilespmem:v19+s20+$0x0], $0xffff;
	[tilespmem:s17+$0x80] =	vst v17  }
0x20f: {  	s31 =	sor.u32 $0x300, s9;
	v6 =	vor.u32 $0x380, v23;
	v19 =	vld.idx.msk [tilespmem:v20+s20+$0x0], $0xffff;
	[tilespmem:s15+$0x80] =	vst v22  }
0x210: {  	s26 =	sor.u32 $0x280, s0;
	v13 =	vor.u32 $0x200, v23;
	v10 =	vor.u32 $0x280, v23;
	v20 =	vld.idx.msk [tilespmem:v8+s20+$0x0], $0xffff;
	[tilespmem:s31+$0x10C00] =	vst v24;
	v24 =	vor.u32 $0x180, v4  }
0x211: {  	s6 =	simm.s32 $0x4;
	s7 =	sor.u32 $0x300, s16;
	[tilespmem:s26+$0x10C00] =	vst v9;
	v15 =	vor.u32 $0x180, v23;
	v8 =	vor.u32 $0x300, v23;
	v23 =	vor.u32 $0x180, v3;
	v22 =	vld.idx.msk [tilespmem:v25+s20+$0x0], $0xffff  }
0x212: {  	s8 =	sor.u32 $0x380, s8;
	s21 =	sor.u32 $0x380, s0;
	v5 =	vor.u32 $0x380, v5;
	s22 =	sor.u32 $0x380, s16;
	v14 =	vor.u32 $0x180, v12;
	v9 =	vor.u32 $0x280, v12;
	v17 =	vld.idx.msk [tilespmem:v18+s20+$0x0], $0xffff  }
0x213: {  	s23 =	sor.u32 $0x300, s0;
	s26 =	sor.u32 $0x380, s9;
	v11 =	vor.u32 $0x200, v12;
	s24 =	simm.s32 $0x80;
	v7 =	vor.u32 $0x300, v12;
	v12 =	vor.u32 $0x380, v12;
	v18 =	vld.idx.msk [tilespmem:v27+s20+$0x0], $0xffff;
	[tilespmem:s8+$0x10C00] =	vst v26  }
.LBB2_7:
0x214: {  	v25 =	vld [tilespmem:s24+$0x0];
	[tilespmem:s29+$0x100] =	vst v21;
	s3 =	sadd.s32 $0x40, s3  }
0x215: {  	s6 =	sadd.s32 $0x4, s6;
	s0 =	sand.u32 $0x40, s3;
	[tilespmem:s25+$0x100] =	vst v19;
	v19 =	vld.idx.msk [tilespmem:v24+s20+$0x0], $0xffff  }
0x216: {  	s9 =	sand.u32 $0x780, s3;
	p2 =	slt.u32 s6, $0x7C;
	s16 =	sor.u32 $0x30, s0;
	v21 =	vld.idx.msk [tilespmem:v23+s20+$0x0], $0xffff;
	[tilespmem:s17+$0x100] =	vst v20  }
0x217: {  	s8 =	sor.u32 $0x10, s0;
	s31 =	sor.u32 $0x20, s0;
	v20 =	vor.u32 $0x200, v4;
	s10 =	sor.u32 s16, s9;
	v15 =	vld.idx.msk [tilespmem:v15+s20+$0x0], $0xffff;
	[tilespmem:s15+$0x100] =	vst v22  }
0x218: {  	v23 =	vor.u32 $0x200, v3;
	s11 =	sor.u32 s8, s9;
	s9 =	sor.u32 s31, s9;
	v22 =	vld [tilespmem:s10+$0x0];
	[tilespmem:s7+$0x10C00] =	vst v16  }
0x219: {  	v16 =	vld [tilespmem:s11+$0x0];
	[tilespmem:s23+$0x10C00] =	vst v17  }
0x21a: {  	v17 =	vshll.u32 v25, $0x3;
	v24 =	vld [tilespmem:s9+$0x0];
	[tilespmem:s26+$0x10C00] =	vst v18  }
0x21b: {  	v18 =	vand.u32 $0x7F, v25;
	v17 =	vand.u32 $0xFFFFFC00, v17;
	v14 =	vld.idx.msk [tilespmem:v14+s20+$0x0], $0xffff;
	[tilespmem:s29+$0x180] =	vst v19;
	v19 =	vor.u32 $0x380, v2;
	v2 =	vmovc v3  }
0x21c: {  	p1 =	por !p1, !p1;
	s7 =	simm.s32 $0x1;
	v3 =	vor.u32 v18, v17;
	[tilespmem:s25+$0x180] =	vst v21;
	v17 =	vld.idx.msk [tilespmem:v20+s20+$0x0], $0xffff  }
0x21d: {  	s7 =	simm.s32 @!p1 $0x0;
	v18 =	vshll.u32 v22, $0x3;
	v20 =	vld.idx.msk [tilespmem:v23+s20+$0x0], $0xffff;
	[tilespmem:s17+$0x180] =	vst v15  }
0x21e: {  	s7 =	sshll.u32 s7, $0x6;
	v15 =	vand.u32 $0x7F, v22;
	v18 =	vand.u32 $0xFFFFFC00, v18;
	v21 =	vld.idx.msk [tilespmem:v13+s20+$0x0], $0xffff;
	v13 =	vor.u32 $0x280, v4  }
0x21f: {  	s17 =	sadd.s32 s7, s18;
	v22 =	vshll.u32 v16, $0x3;
	v23 =	vshll.u32 v24, $0x3;
	v18 =	vor.u32 v15, v18;
	v25 =	vld.idx.msk [tilespmem:v5+s20+$0x0], $0xffff;
	v5 =	vmovc v12  }
0x220: {  	s25 =	sadd.s32 $0x10, s17;
	s29 =	sadd.s32 $0x20, s17;
	s9 =	sadd.s32 $0x30, s17;
	v12 =	vand.u32 $0x7F, v16;
	v15 =	vand.u32 $0xFFFFFC00, v22;
	v16 =	vand.u32 $0xFFFFFC00, v23;
	v19 =	vld.idx.msk [tilespmem:v19+s20+$0x0], $0xffff  }
0x221: {  	s26 =	sor.u32 $0x200, s25;
	s7 =	sor.u32 $0x200, s9;
	v12 =	vor.u32 v12, v15;
	v15 =	vand.u32 $0x7F, v24;
	v23 =	vor.u32 $0x280, v2;
	v22 =	vld.idx.msk [tilespmem:v3+s20+$0x0], $0xffff;
	[tilespmem:s15+$0x180] =	vst v14;
	s15 =	sor.u32 $0x200, s29  }
0x222: {  	s10 =	sor.u32 $0x200, s17;
	s13 =	sor.u32 $0x280, s25;
	s12 =	sor.u32 $0x280, s29;
	v24 =	vor.u32 $0x80, v12;
	v26 =	vor.u32 $0x100, v12;
	v16 =	vor.u32 v15, v16;
	v27 =	vld.idx.msk [tilespmem:v11+s20+$0x0], $0xffff;
	[tilespmem:s7+$0x10C00] =	vst v17  }
0x223: {  	s11 =	sor.u32 $0x280, s17;
	v15 =	vor.u32 $0x180, v12;
	v17 =	vor.u32 $0x80, v16;
	v28 =	vor.u32 $0x100, v16;
	s7 =	sor.u32 $0x300, s29;
	[tilespmem:s10+$0x10C00] =	vst v20;
	s10 =	sor.u32 $0x300, s25;
	v20 =	vld.idx.msk [tilespmem:v13+s20+$0x0], $0xffff  }
0x224: {  	s23 =	sor.u32 $0x300, s17;
	v14 =	vor.u32 $0x180, v16;
	v11 =	vor.u32 $0x200, v16;
	v13 =	vor.u32 $0x200, v12;
	v29 =	vld.idx.msk [tilespmem:v18+s20+$0x0], $0xffff;
	[tilespmem:s26+$0x10C00] =	vst v21;
	s26 =	sor.u32 $0x380, s25;
	s25 =	sor.u32 $0x380, s29  }
0x225: {  	v31 =	vor.u32 $0x300, v4;
	s17 =	sor.u32 $0x380, s17;
	v21 =	vor.u32 $0x280, v16;
	v30 =	vld.idx.msk [tilespmem:v10+s20+$0x0], $0xffff;
	v10 =	vor.u32 $0x280, v12;
	[tilespmem:s22+$0x10C00] =	vst v25;
	s22 =	smov.u32 s25  }
0x226: {  	s18 =	sadd.s32 $0x200, s18;
	v34 =	vor.u32 $0x80, v18;
	v32 =	vor.u32 $0x300, v12;
	v33 =	vor.u32 $0x300, v16;
	v25 =	vld.idx.msk [tilespmem:v12+s20+$0x0], $0xffff;
	[tilespmem:s21+$0x10C00] =	vst v19;
	s21 =	smov.u32 s17  }
0x227: {  	v35 =	vor.u32 $0x380, v12;
	s17 =	sand.u32 $0x3C00, s18;
	v19 =	vor.u32 $0x80, v3;
	v12 =	vor.u32 $0x380, v16;
	v36 =	vld.idx.msk [tilespmem:v16+s20+$0x0], $0xffff  }
0x228: {  	s14 =	sadd.s32 $0x10C00, s17;
	v37 =	vld.idx.msk [tilespmem:v23+s20+$0x0], $0xffff;
	[tilespmem:s15+$0x10C00] =	vst v27;
	s15 =	sor.u32 $0x280, s9  }
0x229: {  	s25 =	sor.u32 s0, s14;
	s17 =	sor.u32 s8, s14;
	s29 =	sor.u32 s16, s14;
	v16 =	vld.idx.msk [tilespmem:v9+s20+$0x0], $0xffff;
	[tilespmem:s15+$0x10C00] =	vst v20;
	v9 =	vmov v21  }
0x22a: {  	s15 =	sor.u32 s31, s14;
	[tilespmem:s29+$0x0] =	vst v29;
	v20 =	vld.idx.msk [tilespmem:v31+s20+$0x0], $0xffff  }
0x22b: {  	[tilespmem:s25+$0x0] =	vst v22;
	v21 =	vld.idx.msk [tilespmem:v34+s20+$0x0], $0xffff  }
0x22c: {  	v22 =	vor.u32 $0x380, v4;
	v4 =	vmov v18;
	v19 =	vld.idx.msk [tilespmem:v19+s20+$0x0], $0xffff;
	[tilespmem:s17+$0x0] =	vst v25  }
0x22d: {  	v23 =	vor.u32 $0x100, v4;
	v18 =	vld.idx.msk [tilespmem:v24+s20+$0x0], $0xffff;
	[tilespmem:s15+$0x0] =	vst v36  }
0x22e: {  	v24 =	vor.u32 $0x100, v3;
	v17 =	vld.idx.msk [tilespmem:v17+s20+$0x0], $0xffff;
	[tilespmem:s13+$0x10C00] =	vst v30  }
0x22f: {  	s0 =	sor.u32 $0x300, s9;
	v25 =	vld.idx.msk [tilespmem:v8+s20+$0x0], $0xffff;
	[tilespmem:s12+$0x10C00] =	vst v16;
	v8 =	vmov v32  }
0x230: {  	v16 =	vld.idx.msk [tilespmem:v7+s20+$0x0], $0xffff;
	[tilespmem:s0+$0x10C00] =	vst v20;
	v7 =	vmov v33  }
0x231: {  	v27 =	vor.u32 $0x300, v2;
	[tilespmem:s29+$0x80] =	vst v21;
	v29 =	vld.idx.msk [tilespmem:v22+s20+$0x0], $0xffff  }
0x232: {  	[tilespmem:s25+$0x80] =	vst v19;
	v21 =	vld.idx.msk [tilespmem:v23+s20+$0x0], $0xffff  }
.Ltmp4:
0x233: {  	v19 =	vld.idx.msk [tilespmem:v24+s20+$0x0], $0xffff;
	[tilespmem:s17+$0x80] =	vst v18;
	(pc) =	sbr.rel @p2 .LBB2_7-.Ltmp4, $4  }
0x234: {  	v24 =	vor.u32 $0x180, v4;
	v20 =	vld.idx.msk [tilespmem:v26+s20+$0x0], $0xffff;
	[tilespmem:s15+$0x80] =	vst v17  }
0x235: {  	v23 =	vor.u32 $0x180, v3;
	v22 =	vld.idx.msk [tilespmem:v28+s20+$0x0], $0xffff;
	[tilespmem:s11+$0x10C00] =	vst v37  }
0x236: {  	s0 =	sor.u32 $0x380, s9;
	v17 =	vld.idx.msk [tilespmem:v27+s20+$0x0], $0xffff;
	[tilespmem:s10+$0x10C00] =	vst v25  }
0x237: {  	s24 =	sadd.s32 $0x40, s24;
	v18 =	vld.idx.msk [tilespmem:v6+s20+$0x0], $0xffff;
	[tilespmem:s0+$0x10C00] =	vst v29;
	v6 =	vmov v35  }
0x238: {  	_ =	sdelay $0x2  }
0x239: {  	[tilespmem:s29+$0x100] =	vst v21  }
0x23a: {  	v21 =	vld.idx.msk [tilespmem:v24+s20+$0x0], $0xffff;
	[tilespmem:s17+$0x100] =	vst v20  }
0x23b: {  	[tilespmem:s25+$0x100] =	vst v19;
	v20 =	vor.u32 $0x200, v4;
	v15 =	vld.idx.msk [tilespmem:v15+s20+$0x0], $0xffff  }
0x23c: {  	v19 =	vld.idx.msk [tilespmem:v23+s20+$0x0], $0xffff;
	[tilespmem:s15+$0x100] =	vst v22  }
0x23d: {  	v22 =	vor.u32 $0x200, v3;
	v14 =	vld.idx.msk [tilespmem:v14+s20+$0x0], $0xffff;
	_ =	sdelay $0x1  }
0x23e: {  	p1 =	por !p1, !p1;
	s0 =	simm.s32 $0x1;
	[tilespmem:s29+$0x180] =	vst v21  }
0x23f: {  	s0 =	simm.s32 @!p1 $0x0;
	v20 =	vld.idx.msk [tilespmem:v20+s20+$0x0], $0xffff;
	[tilespmem:s17+$0x180] =	vst v15  }
0x240: {  	s0 =	sshll.u32 s0, $0x6;
	[tilespmem:s25+$0x180] =	vst v19;
	v15 =	vor.u32 $0x280, v4;
	v13 =	vld.idx.msk [tilespmem:v13+s20+$0x0], $0xffff  }
0x241: {  	s0 =	sadd.s32 s0, s18;
	[tilespmem:s15+$0x180] =	vst v14;
	v14 =	vld.idx.msk [tilespmem:v22+s20+$0x0], $0xffff  }
0x242: {  	s3 =	sadd.s32 $0x30, s0;
	v19 =	vor.u32 $0x280, v3;
	v11 =	vld.idx.msk [tilespmem:v11+s20+$0x0], $0xffff  }
0x243: {  	s6 =	sadd.s32 $0x10, s0;
	s8 =	sor.u32 $0x200, s3  }
0x244: {  	s10 =	sor.u32 $0x200, s6;
	[tilespmem:s8+$0x10C00] =	vst v20  }
0x245: {  	s9 =	sadd.s32 $0x20, s0;
	s14 =	sor.u32 $0x200, s0;
	v15 =	vld.idx.msk [tilespmem:v15+s20+$0x0], $0xffff;
	[tilespmem:s10+$0x10C00] =	vst v13  }
0x246: {  	s13 =	sor.u32 $0x200, s9;
	v13 =	vor.u32 $0x300, v4;
	[tilespmem:s14+$0x10C00] =	vst v14;
	v10 =	vld.idx.msk [tilespmem:v10+s20+$0x0], $0xffff  }
0x247: {  	[tilespmem:s13+$0x10C00] =	vst v11;
	v11 =	vld.idx.msk [tilespmem:v19+s20+$0x0], $0xffff  }
0x248: {  	v14 =	vor.u32 $0x300, v3;
	v9 =	vld.idx.msk [tilespmem:v9+s20+$0x0], $0xffff  }
0x249: {  	[tilespmem:s7+$0x10C00] =	vst v16;
	s15 =	sor.u32 $0x280, s3  }
0x24a: {  	s16 =	sor.u32 $0x280, s6;
	[tilespmem:s15+$0x10C00] =	vst v15  }
0x24b: {  	v2 =	vor.u32 $0x380, v2;
	s18 =	sor.u32 $0x280, s0;
	v13 =	vld.idx.msk [tilespmem:v13+s20+$0x0], $0xffff;
	[tilespmem:s16+$0x10C00] =	vst v10  }
0x24c: {  	s17 =	sor.u32 $0x280, s9;
	v4 =	vor.u32 $0x380, v4;
	[tilespmem:s18+$0x10C00] =	vst v11;
	v8 =	vld.idx.msk [tilespmem:v8+s20+$0x0], $0xffff  }
0x24d: {  	[tilespmem:s17+$0x10C00] =	vst v9;
	v9 =	vld.idx.msk [tilespmem:v14+s20+$0x0], $0xffff  }
0x24e: {  	[tilespmem:s23+$0x10C00] =	vst v17;
	v3 =	vor.u32 $0x380, v3;
	v7 =	vld.idx.msk [tilespmem:v7+s20+$0x0], $0xffff  }
0x24f: {  	v5 =	vld.idx.msk [tilespmem:v5+s20+$0x0], $0xffff;
	[tilespmem:s26+$0x10C00] =	vst v18;
	s23 =	sor.u32 $0x300, s3  }
0x250: {  	v2 =	vld.idx.msk [tilespmem:v2+s20+$0x0], $0xffff;
	s24 =	sor.u32 $0x300, s6;
	[tilespmem:s23+$0x10C00] =	vst v13  }
0x251: {  	s26 =	sor.u32 $0x300, s0;
	v4 =	vld.idx.msk [tilespmem:v4+s20+$0x0], $0xffff;
	[tilespmem:s24+$0x10C00] =	vst v8  }
0x252: {  	s25 =	sor.u32 $0x300, s9;
	[tilespmem:s26+$0x10C00] =	vst v9;
	v6 =	vld.idx.msk [tilespmem:v6+s20+$0x0], $0xffff  }
0x253: {  	[tilespmem:s25+$0x10C00] =	vst v7;
	v3 =	vld.idx.msk [tilespmem:v3+s20+$0x0], $0xffff  }
0x254: {  	[tilespmem:s22+$0x10C00] =	vst v5;
	v7 =	vld.idx.msk [tilespmem:v12+s20+$0x0], $0xffff  }
0x255: {  	s3 =	sor.u32 $0x380, s3;
	[tilespmem:s21+$0x10C00] =	vst v2  }
0x256: {  	s6 =	sor.u32 $0x380, s6;
	[tilespmem:s3+$0x10C00] =	vst v4  }
0x257: {  	s0 =	sor.u32 $0x380, s0;
	[tilespmem:s6+$0x10C00] =	vst v6  }
0x258: {  	s29 =	sor.u32 $0x380, s9;
	[tilespmem:s0+$0x10C00] =	vst v3  }
0x259: {  	s3 =	sadd.s32 $0x1000, s2;
	s6 =	simm.s32 $0x10C00;
	[tilespmem:s29+$0x10C00] =	vst v7  }
0x25a: {  	[hbm4b:s3+s5] =	stream.linear.scatter [tilespmem:s6], [sflag:$0x5], $0x4000, $0x38;
	[tilespmem:$0x18C00] =	vst v63  }
0x25b: {  	v2 =	vld.msk @!p0 [tilespmem:s1+$0x830], $0xff;
	_ =	sdelay $0x4  }
0x25c: {  	v3 =	vshll.u32 @!p0 v2, $0x4  }
0x25d: {  	v4 =	vlaneseq.u32 @!p0;
	v2 =	vand.u32 @!p0 $0x7, v2;
	v3 =	vand.u32 @!p0 $0xFFFFFF80, v3  }
0x25e: {  	v2 =	vor.u32 @!p0 v2, v3;
	v3 =	vand.u32 @!p0 $0x7, v4;
	v4 =	vshrl.u32 @!p0 v4, $0x3  }
0x25f: {  	v2 =	vperm.xlane @!p0 v2, v3;
	v3 =	vmul.u32 @!p0 $0x8, v4;
	_ =	sdelay $0x1  }
0x260: {  	v2 =	vadd.s32 @!p0 v3, v2;
	_ =	sdelay $0x3  }
0x261: {  	s0 =	simm.s32 @!p0 $0x0;
	s3 =	rddreg [dreg:$0x0];
	s1 =	simm.s32 @!p0 $0x8C00  }
0x262: {  	[tilespmem:s1], [sflag:$0x3] =	stream.indirect_vreg.gather @!p0 [hbm4b:s3+s0], $0x80, v2, vm1, $0xb8;
	[tilespmem:$0x18C00] =	vst v63  }
0x263: {  	s31 =	rddreg [dreg:$0x7];
	s1 =	simm.s32 @!p0 $0x9400  }
0x264: {  	[tilespmem:s1], [sflag:$0x3] =	stream.indirect_vreg.gather @!p0 [hbm4b:s31+s0], $0x80, v2, vm1, $0xb8;
	[tilespmem:$0x18C00] =	vst v63  }
0x265: {  	s3 =	rddreg [dreg:$0x8];
	s1 =	simm.s32 @!p0 $0x9C00  }
0x266: {  	[tilespmem:s1], [sflag:$0x3] =	stream.indirect_vreg.gather @!p0 [hbm4b:s3+s0], $0x80, v2, vm1, $0xb8;
	[tilespmem:$0x18C00] =	vst v63  }
0x267: {  	s1 =	simm.s32 @!p0 $0xA400;
	s3 =	rddreg [dreg:$0x9]  }
0x268: {  	[tilespmem:s1], [sflag:$0x3] =	stream.indirect_vreg.gather @!p0 [hbm4b:s3+s0], $0x80, v2, vm1, $0xb8;
	[tilespmem:$0x18C00] =	vst v63  }
0x269: {  	s1 =	simm.s32 @!p0 $0xAC00;
	s3 =	rddreg [dreg:$0xa]  }
0x26a: {  	[tilespmem:s1], [sflag:$0x3] =	stream.indirect_vreg.gather @!p0 [hbm4b:s3+s0], $0x80, v2, vm1, $0xb8;
	[tilespmem:$0x18C00] =	vst v63  }
0x26b: {  	s1 =	simm.s32 @!p0 $0xB400;
	s3 =	rddreg [dreg:$0xb]  }
0x26c: {  	[tilespmem:s1], [sflag:$0x3] =	stream.indirect_vreg.gather @!p0 [hbm4b:s3+s0], $0x80, v2, vm1, $0xb8;
	[tilespmem:$0x18C00] =	vst v63  }
0x26d: {  	s1 =	simm.s32 @!p0 $0xBC00;
	s3 =	rddreg [dreg:$0xc]  }
0x26e: {  	[tilespmem:s1], [sflag:$0x3] =	stream.indirect_vreg.gather @!p0 [hbm4b:s3+s0], $0x80, v2, vm1, $0xb8;
	[tilespmem:$0x18C00] =	vst v63  }
0x26f: {  	s7 =	simm.s32 $0x6;
	s1 =	simm.s32 @!p0 $0xC400;
	s3 =	rddreg [dreg:$0xd]  }
0x270: {  	[tilespmem:s1], [sflag:$0x3] =	stream.indirect_vreg.gather @!p0 [hbm4b:s3+s0], $0x80, v2, vm1, $0xb8;
	[tilespmem:$0x18C00] =	vst v63  }
0x271: {  	_ =	swait.ge [sflag:s7], $0x4000  }
0x272: {  	[sflag:s7] =	ssyncset.done $0x0  }
0x273: {  	s9 =	simm.s32 $0x4;
	s8 =	simm.s32 $0x0;
	[sflag:s7] =	ssyncadd.s32 $0xFFFFC000  }
0x274: {  	s10 =	sand.u32 $0x40, s8;
	_ =	swait.ge [sflag:s9], $0x4000  }
0x275: {  	s11 =	sand.u32 $0x780, s8;
	s12 =	sor.u32 $0x30, s10;
	[sflag:s9] =	ssyncset.done $0x0  }
0x276: {  	s13 =	sor.u32 s12, s11;
	[sflag:s9] =	ssyncadd.s32 $0xFFFFC000  }
0x277: {  	v2 =	vld [tilespmem:s13+$0x0]  }
0x278: {  	s14 =	sor.u32 $0x10, s10;
	v3 =	vld [tilespmem:s8+$0x0]  }
0x279: {  	s15 =	sor.u32 $0x20, s10;
	s16 =	sor.u32 s14, s11  }
0x27a: {  	s3 =	sor.u32 s15, s11;
	v4 =	vld [tilespmem:s16+$0x0]  }
0x27b: {  	v5 =	vld [tilespmem:s3+$0x0]  }
0x27c: {  	v6 =	vshll.u32 v2, $0x3  }
0x27d: {  	v7 =	vshll.u32 v3, $0x3;
	v2 =	vand.u32 $0x7F, v2;
	v6 =	vand.u32 $0xFFFFFC00, v6  }
0x27e: {  	v3 =	vand.u32 $0x7F, v3;
	v8 =	vand.u32 $0xFFFFFC00, v7;
	v7 =	vor.u32 v2, v6  }
0x27f: {  	v2 =	vor.u32 v3, v8;
	v3 =	vshll.u32 v4, $0x3  }
0x280: {  	v6 =	vshll.u32 v5, $0x3;
	v4 =	vand.u32 $0x7F, v4;
	v3 =	vand.u32 $0xFFFFFC00, v3  }
0x281: {  	v8 =	vand.u32 $0xFFFFFC00, v6;
	v6 =	vor.u32 v4, v3;
	v3 =	vand.u32 $0x7F, v5  }
0x282: {  	v5 =	vor.u32 v3, v8  }
0x283: {  	v3 =	vld.idx.msk [tilespmem:v7+s30+$0x0], $0xffff  }
0x284: {  	v8 =	vor.u32 $0x80, v7;
	v4 =	vld.idx.msk [tilespmem:v2+s30+$0x0], $0xffff  }
0x285: {  	s0 =	sand.u32 $0x3C00, s8;
	v9 =	vor.u32 $0x80, v2  }
0x286: {  	s17 =	sadd.s32 $0x14C00, s0;
	v10 =	vld.idx.msk [tilespmem:v6+s30+$0x0], $0xffff  }
0x287: {  	s18 =	sor.u32 s12, s17;
	v11 =	vor.u32 $0x80, v6;
	v12 =	vld.idx.msk [tilespmem:v5+s30+$0x0], $0xffff  }
0x288: {  	s0 =	sor.u32 s10, s17;
	v13 =	vor.u32 $0x80, v5;
	[tilespmem:s18+$0x0] =	vst v3  }
0x289: {  	[tilespmem:s0+$0x0] =	vst v4;
	v3 =	vld.idx.msk [tilespmem:v8+s30+$0x0], $0xffff  }
0x28a: {  	s12 =	sor.u32 s14, s17;
	v4 =	vld.idx.msk [tilespmem:v9+s30+$0x0], $0xffff;
	v8 =	vor.u32 $0x100, v7  }
0x28b: {  	s3 =	sor.u32 s15, s17;
	v9 =	vor.u32 $0x100, v2;
	[tilespmem:s12+$0x0] =	vst v10  }
0x28c: {  	v10 =	vld.idx.msk [tilespmem:v11+s30+$0x0], $0xffff;
	[tilespmem:s3+$0x0] =	vst v12  }
0x28d: {  	v11 =	vor.u32 $0x100, v6;
	v12 =	vld.idx.msk [tilespmem:v13+s30+$0x0], $0xffff  }
0x28e: {  	v13 =	vor.u32 $0x100, v5;
	[tilespmem:s18+$0x80] =	vst v3  }
0x28f: {  	[tilespmem:s0+$0x80] =	vst v4;
	v3 =	vld.idx.msk [tilespmem:v8+s30+$0x0], $0xffff  }
0x290: {  	v4 =	vld.idx.msk [tilespmem:v9+s30+$0x0], $0xffff;
	v8 =	vor.u32 $0x180, v7  }
0x291: {  	v9 =	vor.u32 $0x180, v2;
	[tilespmem:s12+$0x80] =	vst v10  }
0x292: {  	v10 =	vld.idx.msk [tilespmem:v11+s30+$0x0], $0xffff;
	[tilespmem:s3+$0x80] =	vst v12  }
0x293: {  	s1 =	simm.s32 $0x40;
	v11 =	vor.u32 $0x180, v6;
	v12 =	vld.idx.msk [tilespmem:v13+s30+$0x0], $0xffff  }
0x294: {  	s21 =	sand.u32 $0x40, s1;
	v13 =	vld [tilespmem:s1+$0x0];
	[tilespmem:s18+$0x100] =	vst v3  }
0x295: {  	s22 =	sand.u32 $0x780, s1;
	s11 =	sor.u32 $0x30, s21;
	[tilespmem:s0+$0x100] =	vst v4;
	v3 =	vld.idx.msk [tilespmem:v8+s30+$0x0], $0xffff  }
0x296: {  	s23 =	sor.u32 s11, s22;
	v4 =	vor.u32 $0x180, v5;
	v8 =	vld.idx.msk [tilespmem:v9+s30+$0x0], $0xffff  }
0x297: {  	s24 =	sor.u32 $0x10, s21;
	v9 =	vor.u32 $0x200, v7;
	[tilespmem:s12+$0x100] =	vst v10;
	v10 =	vld [tilespmem:s23+$0x0]  }
0x298: {  	s29 =	sor.u32 $0x20, s21;
	s13 =	sor.u32 s24, s22;
	v11 =	vld.idx.msk [tilespmem:v11+s30+$0x0], $0xffff  }
0x299: {  	s8 =	sor.u32 s29, s22;
	v15 =	vld [tilespmem:s13+$0x0];
	v14 =	vor.u32 $0x200, v6;
	v16 =	vshll.u32 v13, $0x3  }
0x29a: {  	v17 =	vld [tilespmem:s8+$0x0];
	[tilespmem:s3+$0x100] =	vst v12;
	v12 =	vor.u32 $0x200, v2;
	v13 =	vand.u32 $0x7F, v13;
	v16 =	vand.u32 $0xFFFFFC00, v16  }
0x29b: {  	p1 =	por $0x0, $0x0;
	s8 =	simm.s32 $0x1;
	v18 =	vld.idx.msk [tilespmem:v4+s30+$0x0], $0xffff;
	[tilespmem:s18+$0x180] =	vst v3;
	v3 =	vor.u32 v13, v16  }
0x29c: {  	s8 =	simm.s32 @!p1 $0x0;
	v13 =	vor.u32 $0x200, v5;
	v9 =	vld.idx.msk [tilespmem:v9+s30+$0x0], $0xffff;
	v4 =	vshll.u32 v10, $0x3  }
0x29d: {  	s8 =	sshll.u32 s8, $0x6;
	v10 =	vand.u32 $0x7F, v10;
	[tilespmem:s12+$0x180] =	vst v11;
	v4 =	vand.u32 $0xFFFFFC00, v4;
	v11 =	vor.u32 $0x280, v7  }
0x29e: {  	v16 =	vor.u32 $0x280, v6;
	[tilespmem:s0+$0x180] =	vst v8;
	s0 =	sadd.s32 $0x0, s8;
	v8 =	vld.idx.msk [tilespmem:v14+s30+$0x0], $0xffff;
	v14 =	vshll.u32 v15, $0x3;
	v4 =	vor.u32 v10, v4  }
0x29f: {  	s8 =	sadd.s32 $0x30, s0;
	v10 =	vld.idx.msk [tilespmem:v12+s30+$0x0], $0xffff;
	v12 =	vshll.u32 v17, $0x3;
	v15 =	vand.u32 $0x7F, v15;
	v14 =	vand.u32 $0xFFFFFC00, v14  }
0x2a0: {  	s12 =	sor.u32 $0x200, s8;
	v12 =	vand.u32 $0xFFFFFC00, v12;
	[tilespmem:s3+$0x180] =	vst v18;
	v19 =	vld.idx.msk [tilespmem:v3+s30+$0x0], $0xffff;
	v23 =	vor.u32 v15, v14;
	v14 =	vand.u32 $0x7F, v17  }
0x2a1: {  	s9 =	sadd.s32 $0x10, s0;
	v13 =	vld.idx.msk [tilespmem:v13+s30+$0x0], $0xffff;
	v12 =	vor.u32 v14, v12;
	[tilespmem:s12+$0x14C00] =	vst v9  }
0x2a2: {  	s13 =	sor.u32 $0x200, s9;
	v9 =	vor.u32 $0x280, v2;
	v11 =	vld.idx.msk [tilespmem:v11+s30+$0x0], $0xffff  }
0x2a3: {  	s14 =	sor.u32 $0x200, s0;
	s3 =	simm.s32 $0x200;
	v14 =	vor.u32 $0x280, v5;
	v15 =	vld.idx.msk [tilespmem:v4+s30+$0x0], $0xffff;
	[tilespmem:s13+$0x14C00] =	vst v8  }
0x2a4: {  	s16 =	sadd.s32 $0x20, s0;
	s17 =	sand.u32 $0x3C00, s3;
	[tilespmem:s14+$0x14C00] =	vst v10;
	v10 =	vor.u32 $0x80, v3;
	v8 =	vld.idx.msk [tilespmem:v16+s30+$0x0], $0xffff  }
0x2a5: {  	s15 =	sor.u32 $0x200, s16;
	s12 =	sadd.s32 $0x14C00, s17;
	v16 =	vor.u32 $0x300, v7;
	v17 =	vld.idx.msk [tilespmem:v23+s30+$0x0], $0xffff  }
0x2a6: {  	v18 =	vor.u32 $0x80, v4;
	s25 =	sor.u32 s21, s12;
	[tilespmem:s15+$0x14C00] =	vst v13;
	v20 =	vld.idx.msk [tilespmem:v12+s30+$0x0], $0xffff  }
0x2a7: {  	s18 =	sor.u32 $0x280, s8;
	v21 =	vor.u32 $0x80, v23;
	[tilespmem:s25+$0x0] =	vst v19;
	v9 =	vld.idx.msk [tilespmem:v9+s30+$0x0], $0xffff  }
0x2a8: {  	s26 =	sor.u32 s11, s12;
	v13 =	vor.u32 $0x80, v12;
	v14 =	vld.idx.msk [tilespmem:v14+s30+$0x0], $0xffff;
	[tilespmem:s18+$0x14C00] =	vst v11  }
0x2a9: {  	s21 =	sor.u32 $0x280, s9;
	v11 =	vor.u32 $0x300, v6;
	[tilespmem:s26+$0x0] =	vst v15;
	v10 =	vld.idx.msk [tilespmem:v10+s30+$0x0], $0xffff  }
0x2aa: {  	s17 =	sor.u32 s24, s12;
	v15 =	vld.idx.msk [tilespmem:v16+s30+$0x0], $0xffff;
	v16 =	vor.u32 $0x300, v5;
	[tilespmem:s21+$0x14C00] =	vst v8  }
0x2ab: {  	v7 =	vor.u32 $0x380, v7;
	s15 =	sor.u32 s29, s12;
	v18 =	vld.idx.msk [tilespmem:v18+s30+$0x0], $0xffff;
	[tilespmem:s17+$0x0] =	vst v17  }
0x2ac: {  	s22 =	sor.u32 $0x280, s16;
	v19 =	vor.u32 $0x100, v4;
	v17 =	vld.idx.msk [tilespmem:v21+s30+$0x0], $0xffff;
	[tilespmem:s15+$0x0] =	vst v20  }
0x2ad: {  	v20 =	vor.u32 $0x100, v3;
	[tilespmem:s22+$0x14C00] =	vst v14;
	v22 =	vld.idx.msk [tilespmem:v13+s30+$0x0], $0xffff  }
0x2ae: {  	s23 =	sor.u32 $0x300, s8;
	v8 =	vor.u32 $0x100, v23;
	v24 =	vld.idx.msk [tilespmem:v11+s30+$0x0], $0xffff;
	[tilespmem:s25+$0x80] =	vst v10  }
0x2af: {  	v25 =	vor.u32 $0x100, v12;
	v16 =	vld.idx.msk [tilespmem:v16+s30+$0x0], $0xffff;
	[tilespmem:s23+$0x14C00] =	vst v15  }
0x2b0: {  	[tilespmem:s26+$0x80] =	vst v18;
	v18 =	vor.u32 $0x300, v2;
	v26 =	vld.idx.msk [tilespmem:v7+s30+$0x0], $0xffff  }
0x2b1: {  	v27 =	vor.u32 $0x380, v6;
	v21 =	vld.idx.msk [tilespmem:v19+s30+$0x0], $0xffff;
	[tilespmem:s17+$0x80] =	vst v17  }
0x2b2: {  	s29 =	sor.u32 $0x300, s9;
	v6 =	vor.u32 $0x380, v23;
	v19 =	vld.idx.msk [tilespmem:v20+s30+$0x0], $0xffff;
	[tilespmem:s15+$0x80] =	vst v22  }
0x2b3: {  	s24 =	sor.u32 $0x280, s0;
	v13 =	vor.u32 $0x200, v23;
	v10 =	vor.u32 $0x280, v23;
	v20 =	vld.idx.msk [tilespmem:v8+s30+$0x0], $0xffff;
	[tilespmem:s29+$0x14C00] =	vst v24;
	v24 =	vor.u32 $0x180, v4  }
0x2b4: {  	s6 =	simm.s32 $0x4;
	s7 =	sor.u32 $0x300, s16;
	[tilespmem:s24+$0x14C00] =	vst v9;
	v15 =	vor.u32 $0x180, v23;
	v8 =	vor.u32 $0x300, v23;
	v23 =	vor.u32 $0x180, v3;
	v22 =	vld.idx.msk [tilespmem:v25+s30+$0x0], $0xffff  }
0x2b5: {  	s8 =	sor.u32 $0x380, s8;
	s18 =	sor.u32 $0x380, s0;
	v5 =	vor.u32 $0x380, v5;
	s21 =	sor.u32 $0x380, s16;
	v14 =	vor.u32 $0x180, v12;
	v9 =	vor.u32 $0x280, v12;
	v17 =	vld.idx.msk [tilespmem:v18+s30+$0x0], $0xffff  }
0x2b6: {  	s24 =	sor.u32 $0x380, s9;
	s22 =	simm.s32 $0x80;
	v11 =	vor.u32 $0x200, v12;
	s23 =	sor.u32 $0x300, s0;
	v7 =	vor.u32 $0x300, v12;
	v12 =	vor.u32 $0x380, v12;
	v18 =	vld.idx.msk [tilespmem:v27+s30+$0x0], $0xffff;
	[tilespmem:s8+$0x14C00] =	vst v26  }
.LBB2_9:
0x2b7: {  	v25 =	vld [tilespmem:s22+$0x0];
	[tilespmem:s26+$0x100] =	vst v21;
	s1 =	sadd.s32 $0x40, s1  }
0x2b8: {  	s6 =	sadd.s32 $0x4, s6;
	s0 =	sand.u32 $0x40, s1;
	[tilespmem:s25+$0x100] =	vst v19;
	v19 =	vld.idx.msk [tilespmem:v24+s30+$0x0], $0xffff  }
0x2b9: {  	s9 =	sand.u32 $0x780, s1;
	p2 =	slt.u32 s6, $0x7C;
	s16 =	sor.u32 $0x30, s0;
	v21 =	vld.idx.msk [tilespmem:v23+s30+$0x0], $0xffff;
	[tilespmem:s17+$0x100] =	vst v20  }
0x2ba: {  	s8 =	sor.u32 $0x10, s0;
	s29 =	sor.u32 $0x20, s0;
	v20 =	vor.u32 $0x200, v4;
	s10 =	sor.u32 s16, s9;
	v15 =	vld.idx.msk [tilespmem:v15+s30+$0x0], $0xffff;
	[tilespmem:s15+$0x100] =	vst v22  }
0x2bb: {  	v23 =	vor.u32 $0x200, v3;
	s11 =	sor.u32 s8, s9;
	s9 =	sor.u32 s29, s9;
	v22 =	vld [tilespmem:s10+$0x0];
	[tilespmem:s7+$0x14C00] =	vst v16  }
0x2bc: {  	v16 =	vld [tilespmem:s11+$0x0];
	[tilespmem:s23+$0x14C00] =	vst v17  }
0x2bd: {  	v17 =	vshll.u32 v25, $0x3;
	v24 =	vld [tilespmem:s9+$0x0];
	[tilespmem:s24+$0x14C00] =	vst v18  }
0x2be: {  	v18 =	vand.u32 $0x7F, v25;
	v17 =	vand.u32 $0xFFFFFC00, v17;
	v14 =	vld.idx.msk [tilespmem:v14+s30+$0x0], $0xffff;
	[tilespmem:s26+$0x180] =	vst v19;
	v19 =	vor.u32 $0x380, v2;
	v2 =	vmovc v3  }
0x2bf: {  	p1 =	por !p1, !p1;
	s7 =	simm.s32 $0x1;
	v3 =	vor.u32 v18, v17;
	[tilespmem:s25+$0x180] =	vst v21;
	v17 =	vld.idx.msk [tilespmem:v20+s30+$0x0], $0xffff  }
0x2c0: {  	s7 =	simm.s32 @!p1 $0x0;
	v18 =	vshll.u32 v22, $0x3;
	v20 =	vld.idx.msk [tilespmem:v23+s30+$0x0], $0xffff;
	[tilespmem:s17+$0x180] =	vst v15  }
0x2c1: {  	s7 =	sshll.u32 s7, $0x6;
	v15 =	vand.u32 $0x7F, v22;
	v18 =	vand.u32 $0xFFFFFC00, v18;
	v21 =	vld.idx.msk [tilespmem:v13+s30+$0x0], $0xffff;
	v13 =	vor.u32 $0x280, v4  }
0x2c2: {  	s14 =	sadd.s32 s7, s3;
	v22 =	vshll.u32 v16, $0x3;
	v23 =	vshll.u32 v24, $0x3;
	v18 =	vor.u32 v15, v18;
	v25 =	vld.idx.msk [tilespmem:v5+s30+$0x0], $0xffff;
	v5 =	vmovc v12  }
0x2c3: {  	s25 =	sadd.s32 $0x20, s14;
	s9 =	sadd.s32 $0x30, s14;
	s17 =	sadd.s32 $0x10, s14;
	v12 =	vand.u32 $0x7F, v16;
	v15 =	vand.u32 $0xFFFFFC00, v22;
	v16 =	vand.u32 $0xFFFFFC00, v23;
	v19 =	vld.idx.msk [tilespmem:v19+s30+$0x0], $0xffff  }
0x2c4: {  	s7 =	sor.u32 $0x200, s9;
	s24 =	sor.u32 $0x200, s17;
	v12 =	vor.u32 v12, v15;
	v15 =	vand.u32 $0x7F, v24;
	v23 =	vor.u32 $0x280, v2;
	v22 =	vld.idx.msk [tilespmem:v3+s30+$0x0], $0xffff;
	[tilespmem:s15+$0x180] =	vst v14;
	s15 =	sor.u32 $0x200, s25  }
0x2c5: {  	s10 =	sor.u32 $0x200, s14;
	s12 =	sor.u32 $0x280, s25;
	s13 =	sor.u32 $0x280, s17;
	v24 =	vor.u32 $0x80, v12;
	v26 =	vor.u32 $0x100, v12;
	v16 =	vor.u32 v15, v16;
	v27 =	vld.idx.msk [tilespmem:v11+s30+$0x0], $0xffff;
	[tilespmem:s7+$0x14C00] =	vst v17  }
0x2c6: {  	s11 =	sor.u32 $0x280, s14;
	v15 =	vor.u32 $0x180, v12;
	v17 =	vor.u32 $0x80, v16;
	v28 =	vor.u32 $0x100, v16;
	s7 =	sor.u32 $0x300, s25;
	[tilespmem:s10+$0x14C00] =	vst v20;
	s10 =	sor.u32 $0x300, s17;
	v20 =	vld.idx.msk [tilespmem:v13+s30+$0x0], $0xffff  }
0x2c7: {  	s23 =	sor.u32 $0x300, s14;
	v14 =	vor.u32 $0x180, v16;
	v11 =	vor.u32 $0x200, v16;
	v13 =	vor.u32 $0x200, v12;
	v29 =	vld.idx.msk [tilespmem:v18+s30+$0x0], $0xffff;
	[tilespmem:s24+$0x14C00] =	vst v21;
	s24 =	sor.u32 $0x380, s17;
	s17 =	sor.u32 $0x380, s25  }
0x2c8: {  	v31 =	vor.u32 $0x300, v4;
	s14 =	sor.u32 $0x380, s14;
	v21 =	vor.u32 $0x280, v16;
	v30 =	vld.idx.msk [tilespmem:v10+s30+$0x0], $0xffff;
	v10 =	vor.u32 $0x280, v12;
	[tilespmem:s21+$0x14C00] =	vst v25;
	s21 =	smov.u32 s17  }
0x2c9: {  	s3 =	sadd.s32 $0x200, s3;
	v34 =	vor.u32 $0x80, v18;
	v32 =	vor.u32 $0x300, v12;
	v33 =	vor.u32 $0x300, v16;
	v25 =	vld.idx.msk [tilespmem:v12+s30+$0x0], $0xffff;
	[tilespmem:s18+$0x14C00] =	vst v19;
	s18 =	smov.u32 s14  }
0x2ca: {  	v35 =	vor.u32 $0x380, v12;
	s14 =	sand.u32 $0x3C00, s3;
	v19 =	vor.u32 $0x80, v3;
	v12 =	vor.u32 $0x380, v16;
	v36 =	vld.idx.msk [tilespmem:v16+s30+$0x0], $0xffff  }
0x2cb: {  	s14 =	sadd.s32 $0x14C00, s14;
	v37 =	vld.idx.msk [tilespmem:v23+s30+$0x0], $0xffff;
	[tilespmem:s15+$0x14C00] =	vst v27;
	s15 =	sor.u32 $0x280, s9  }
0x2cc: {  	s25 =	sor.u32 s0, s14;
	s17 =	sor.u32 s8, s14;
	s26 =	sor.u32 s16, s14;
	v16 =	vld.idx.msk [tilespmem:v9+s30+$0x0], $0xffff;
	[tilespmem:s15+$0x14C00] =	vst v20;
	v9 =	vmov v21  }
0x2cd: {  	s15 =	sor.u32 s29, s14;
	[tilespmem:s26+$0x0] =	vst v29;
	v20 =	vld.idx.msk [tilespmem:v31+s30+$0x0], $0xffff  }
0x2ce: {  	[tilespmem:s25+$0x0] =	vst v22;
	v21 =	vld.idx.msk [tilespmem:v34+s30+$0x0], $0xffff  }
0x2cf: {  	v22 =	vor.u32 $0x380, v4;
	v4 =	vmov v18;
	v19 =	vld.idx.msk [tilespmem:v19+s30+$0x0], $0xffff;
	[tilespmem:s17+$0x0] =	vst v25  }
0x2d0: {  	v23 =	vor.u32 $0x100, v4;
	v18 =	vld.idx.msk [tilespmem:v24+s30+$0x0], $0xffff;
	[tilespmem:s15+$0x0] =	vst v36  }
0x2d1: {  	v24 =	vor.u32 $0x100, v3;
	v17 =	vld.idx.msk [tilespmem:v17+s30+$0x0], $0xffff;
	[tilespmem:s13+$0x14C00] =	vst v30  }
0x2d2: {  	s0 =	sor.u32 $0x300, s9;
	v25 =	vld.idx.msk [tilespmem:v8+s30+$0x0], $0xffff;
	[tilespmem:s12+$0x14C00] =	vst v16;
	v8 =	vmov v32  }
0x2d3: {  	v16 =	vld.idx.msk [tilespmem:v7+s30+$0x0], $0xffff;
	[tilespmem:s0+$0x14C00] =	vst v20;
	v7 =	vmov v33  }
0x2d4: {  	v27 =	vor.u32 $0x300, v2;
	[tilespmem:s26+$0x80] =	vst v21;
	v29 =	vld.idx.msk [tilespmem:v22+s30+$0x0], $0xffff  }
0x2d5: {  	[tilespmem:s25+$0x80] =	vst v19;
	v21 =	vld.idx.msk [tilespmem:v23+s30+$0x0], $0xffff  }
.Ltmp5:
0x2d6: {  	v19 =	vld.idx.msk [tilespmem:v24+s30+$0x0], $0xffff;
	[tilespmem:s17+$0x80] =	vst v18;
	(pc) =	sbr.rel @p2 .LBB2_9-.Ltmp5, $4  }
0x2d7: {  	v24 =	vor.u32 $0x180, v4;
	v20 =	vld.idx.msk [tilespmem:v26+s30+$0x0], $0xffff;
	[tilespmem:s15+$0x80] =	vst v17  }
0x2d8: {  	v23 =	vor.u32 $0x180, v3;
	v22 =	vld.idx.msk [tilespmem:v28+s30+$0x0], $0xffff;
	[tilespmem:s11+$0x14C00] =	vst v37  }
0x2d9: {  	s0 =	sor.u32 $0x380, s9;
	v17 =	vld.idx.msk [tilespmem:v27+s30+$0x0], $0xffff;
	[tilespmem:s10+$0x14C00] =	vst v25  }
0x2da: {  	s22 =	sadd.s32 $0x40, s22;
	v18 =	vld.idx.msk [tilespmem:v6+s30+$0x0], $0xffff;
	[tilespmem:s0+$0x14C00] =	vst v29;
	v6 =	vmov v35  }
0x2db: {  	_ =	sdelay $0x2  }
0x2dc: {  	[tilespmem:s26+$0x100] =	vst v21  }
0x2dd: {  	[tilespmem:s25+$0x100] =	vst v19;
	v21 =	vld.idx.msk [tilespmem:v24+s30+$0x0], $0xffff  }
0x2de: {  	v54 =	vor.u32 $0x200, v4;
	[tilespmem:s17+$0x100] =	vst v20;
	v19 =	vld.idx.msk [tilespmem:v23+s30+$0x0], $0xffff  }
0x2df: {  	v55 =	vor.u32 $0x200, v3;
	v15 =	vld.idx.msk [tilespmem:v15+s30+$0x0], $0xffff;
	[tilespmem:s15+$0x100] =	vst v22  }
0x2e0: {  	v14 =	vld.idx.msk [tilespmem:v14+s30+$0x0], $0xffff;
	_ =	sdelay $0x1  }
0x2e1: {  	p1 =	por !p1, !p1;
	s0 =	simm.s32 $0x1;
	[tilespmem:s26+$0x180] =	vst v21  }
0x2e2: {  	s0 =	simm.s32 @!p1 $0x0;
	[tilespmem:s25+$0x180] =	vst v19;
	v20 =	vld.idx.msk [tilespmem:v54+s30+$0x0], $0xffff  }
0x2e3: {  	v56 =	vor.u32 $0x280, v4;
	s0 =	sshll.u32 s0, $0x6;
	[tilespmem:s17+$0x180] =	vst v15;
	v57 =	vld.idx.msk [tilespmem:v55+s30+$0x0], $0xffff  }
0x2e4: {  	v58 =	vor.u32 $0x280, v3;
	s0 =	sadd.s32 s0, s3;
	v13 =	vld.idx.msk [tilespmem:v13+s30+$0x0], $0xffff;
	[tilespmem:s15+$0x180] =	vst v14  }
0x2e5: {  	s1 =	sadd.s32 $0x30, s0;
	v11 =	vld.idx.msk [tilespmem:v11+s30+$0x0], $0xffff  }
0x2e6: {  	s6 =	sor.u32 $0x200, s1  }
0x2e7: {  	s3 =	sadd.s32 $0x10, s0;
	s12 =	sor.u32 $0x200, s0;
	[tilespmem:s6+$0x14C00] =	vst v20  }
0x2e8: {  	s8 =	sadd.s32 $0x20, s0;
	s9 =	sor.u32 $0x200, s3;
	[tilespmem:s12+$0x14C00] =	vst v57;
	v15 =	vld.idx.msk [tilespmem:v56+s30+$0x0], $0xffff  }
0x2e9: {  	v59 =	vor.u32 $0x300, v4;
	s11 =	sor.u32 $0x200, s8;
	[tilespmem:s9+$0x14C00] =	vst v13;
	v60 =	vld.idx.msk [tilespmem:v58+s30+$0x0], $0xffff  }
0x2ea: {  	v61 =	vor.u32 $0x300, v3;
	v10 =	vld.idx.msk [tilespmem:v10+s30+$0x0], $0xffff;
	[tilespmem:s11+$0x14C00] =	vst v11  }
0x2eb: {  	v9 =	vld.idx.msk [tilespmem:v9+s30+$0x0], $0xffff  }
0x2ec: {  	[tilespmem:s7+$0x14C00] =	vst v16;
	s13 =	sor.u32 $0x280, s1  }
0x2ed: {  	s16 =	sor.u32 $0x280, s0;
	[tilespmem:s13+$0x14C00] =	vst v15  }
0x2ee: {  	v2 =	vor.u32 $0x380, v2;
	s14 =	sor.u32 $0x280, s3;
	[tilespmem:s16+$0x14C00] =	vst v60;
	v13 =	vld.idx.msk [tilespmem:v59+s30+$0x0], $0xffff  }
0x2ef: {  	v62 =	vor.u32 $0x380, v4;
	s15 =	sor.u32 $0x280, s8;
	[tilespmem:s14+$0x14C00] =	vst v10;
	v63 =	vld.idx.msk [tilespmem:v61+s30+$0x0], $0xffff  }
0x2f0: {  	v3 =	vor.u32 $0x380, v3;
	v8 =	vld.idx.msk [tilespmem:v8+s30+$0x0], $0xffff;
	[tilespmem:s15+$0x14C00] =	vst v9  }
0x2f1: {  	[tilespmem:s23+$0x14C00] =	vst v17;
	v7 =	vld.idx.msk [tilespmem:v7+s30+$0x0], $0xffff  }
0x2f2: {  	v5 =	vld.idx.msk [tilespmem:v5+s30+$0x0], $0xffff;
	[tilespmem:s24+$0x14C00] =	vst v18;
	s17 =	sor.u32 $0x300, s1  }
0x2f3: {  	s24 =	sor.u32 $0x300, s0;
	v2 =	vld.idx.msk [tilespmem:v2+s30+$0x0], $0xffff;
	[tilespmem:s17+$0x14C00] =	vst v13  }
0x2f4: {  	s22 =	sor.u32 $0x300, s3;
	[tilespmem:s24+$0x14C00] =	vst v63;
	v4 =	vld.idx.msk [tilespmem:v62+s30+$0x0], $0xffff  }
0x2f5: {  	s23 =	sor.u32 $0x300, s8;
	[tilespmem:s22+$0x14C00] =	vst v8;
	v3 =	vld.idx.msk [tilespmem:v3+s30+$0x0], $0xffff  }
0x2f6: {  	v6 =	vld.idx.msk [tilespmem:v6+s30+$0x0], $0xffff;
	[tilespmem:s23+$0x14C00] =	vst v7  }
0x2f7: {  	[tilespmem:s21+$0x14C00] =	vst v5;
	v7 =	vld.idx.msk [tilespmem:v12+s30+$0x0], $0xffff  }
0x2f8: {  	s1 =	sor.u32 $0x380, s1;
	[tilespmem:s18+$0x14C00] =	vst v2  }
.Ltmp6:
0x2f9: {  	s0 =	sor.u32 $0x380, s0;
	[tilespmem:s1+$0x14C00] =	vst v4;
	(pc) =	sbr.rel @p0 .LBB2_12-.Ltmp6, $4  }
0x2fa: {  	s3 =	sor.u32 $0x380, s3;
	[tilespmem:s0+$0x14C00] =	vst v3  }
0x2fb: {  	s25 =	sor.u32 $0x380, s8;
	[tilespmem:s3+$0x14C00] =	vst v6  }
0x2fc: {  	s29 =	simm.s32 $0x14C00;
	s26 =	sadd.s32 $0x1800, s2;
	[tilespmem:s25+$0x14C00] =	vst v7  }
0x2fd: {  	[hbm4b:s26+s5] =	stream.linear.scatter [tilespmem:s29], [sflag:$0x6], $0x4000, $0x38;
	[tilespmem:$0x18C00] =	vst v63  }
0x2fe: {  	s0 =	rddreg [dreg:$0x11]  }
0x2ff: {  	s0 =	sshrl.u32 s0, $0x2  }
0x300: {  	v2 =	vld.msk [tilespmem:s0+$0x838], $0xff;
	_ =	sdelay $0x4  }
0x301: {  	v3 =	vshll.u32 v2, $0x4  }
0x302: {  	v2 =	vand.u32 $0x7, v2;
	v3 =	vand.u32 $0xFFFFFF80, v3  }
0x303: {  	v2 =	vor.u32 v2, v3  }
0x304: {  	v2 =	vperm.xlane v2, v0;
	_ =	sdelay $0x1  }
0x305: {  	v2 =	vadd.s32 v1, v2;
	_ =	sdelay $0x3  }
0x306: {  	s14 =	rddreg [dreg:$0x0]  }
0x307: {  	[tilespmem:s30], [sflag:$0x4] =	stream.indirect_vreg.gather [hbm4b:s14+s5], $0x80, v2, vm0, $0xb8;
	[tilespmem:$0x18C00] =	vst v63  }
0x308: {  	s13 =	simm.s32 $0xD400  }
0x309: {  	[tilespmem:s13], [sflag:$0x4] =	stream.indirect_vreg.gather [hbm4b:s31+s5], $0x80, v2, vm0, $0xb8;
	[tilespmem:$0x18C00] =	vst v63  }
0x30a: {  	s15 =	rddreg [dreg:$0x8];
	s1 =	simm.s32 $0xDC00  }
0x30b: {  	[tilespmem:s1], [sflag:$0x4] =	stream.indirect_vreg.gather [hbm4b:s15+s5], $0x80, v2, vm0, $0xb8;
	[tilespmem:$0x18C00] =	vst v63  }
0x30c: {  	s16 =	rddreg [dreg:$0x9];
	s17 =	simm.s32 $0xE400  }
0x30d: {  	[tilespmem:s17], [sflag:$0x4] =	stream.indirect_vreg.gather [hbm4b:s16+s5], $0x80, v2, vm0, $0xb8;
	[tilespmem:$0x18C00] =	vst v63  }
0x30e: {  	s18 =	rddreg [dreg:$0xa];
	s21 =	simm.s32 $0xEC00  }
0x30f: {  	[tilespmem:s21], [sflag:$0x4] =	stream.indirect_vreg.gather [hbm4b:s18+s5], $0x80, v2, vm0, $0xb8;
	[tilespmem:$0x18C00] =	vst v63  }
0x310: {  	s22 =	rddreg [dreg:$0xb];
	s23 =	simm.s32 $0xF400  }
0x311: {  	[tilespmem:s23], [sflag:$0x4] =	stream.indirect_vreg.gather [hbm4b:s22+s5], $0x80, v2, vm0, $0xb8;
	[tilespmem:$0x18C00] =	vst v63  }
.Ltmp7:
0x312: {  	_ = 	snop;
	(pc) =	sbr.rel .LBB2_2-.Ltmp7, $4  }
0x313: {  	s24 =	rddreg [dreg:$0xc];
	s25 =	simm.s32 $0xFC00  }
0x314: {  	[tilespmem:s25], [sflag:$0x4] =	stream.indirect_vreg.gather [hbm4b:s24+s5], $0x80, v2, vm0, $0xb8;
	[tilespmem:$0x18C00] =	vst v63  }
0x315: {  	s26 =	rddreg [dreg:$0xd];
	s29 =	simm.s32 $0x10400;
	s4 =	sadd.s32 $0x1, s4  }
0x316: {  	[tilespmem:s29], [sflag:$0x4] =	stream.indirect_vreg.gather [hbm4b:s26+s5], $0x80, v2, vm0, $0xb8;
	[tilespmem:$0x18C00] =	vst v63  }
.LBB2_13:
0x317: {  	_ =	sfence.sel $0x180000  }
0x318: {  	[bflag:$0x0] =	sbarrier.arrive $0xFFFF  }
0x319: {  	_ =	strace $0x90000047  }
0x31a: {  	s0 =	stileid.u32;
	[bflag:$0x2] =	sbarrier.arrive $0xFFFF  }
0x31b: {  	p0 =	sne.s32 s0, $0x0;
	s0 =	rddreg [dreg:$0x4]  }
0x31c: {  	s0 =	sadd.s32 @!p0 $0x100000, s0  }
0x31d: {  	[sflag:s0] =	ssyncadd.tile.s32 @!p0 $0x1;
	_ =	shalt  }
.Lfunc_end2:
_tile_overlayer_lowered:
.L_overlay_start_2:
0x31e: {  	(tag) =	ssettag $0x2  }
0x31f: {  	s0 =	rddreg [dreg:$0x0];
	s2 =	stileid.u32  }
0x320: {  	s1 =	rddreg [dreg:$0x1];
	p0 =	sne.s32 s2, $0x0  }
0x321: {  	s3 =	rddreg [dreg:$0x2];
	[bflag:$0x3] =	sbarrier.arrive $0xFFFF;
	s2 =	simm.s32 @!p0 $0x1C07  }
0x322: {  	[timem:s3], [sflag:s2] =	dma.local @!p0 [hbm:s0], s1  }
0x323: {  	s0 =	simm.s32 @!p0 $0x7  }
0x324: {  	_ =	swait.ge @!p0 [sflag:s0], s1  }
0x325: {  	s1 =	ssub.s32 @!p0 $0x0, s1;
	[sflag:s0] =	ssyncset.done @!p0 $0x0  }
0x326: {  	[sflag:s0] =	ssyncadd.s32 @!p0 s1  }
0x327: {  	[bflag:$0x3] =	sbarrier.arrive $0xFFFF  }
0x328: {  	_ =	shalt  }

</sc_bundles>
